<compile_context>
chip_gen: v7x
topology: tpu7x:2x2x1
jax: 0.10.2.dev20260603
libtpu: 0.0.44.dev20260713+nightly
codegen_flags: <defaults>
</compile_context>

<pallas_src>
import functools

import jax
import jax.numpy as jnp
from jax import lax
from jax.experimental import pallas as pl
from jax.experimental.pallas import tpu as pltpu
from jax.experimental.pallas import tpu_sc as plsc

N = 10000
D_IN = 128
HEADS = 8
HID = 8
NCLS = 16
E = 320000

N_PAD = 10240
DUMMY = N
NC = 2
NS = 16
NW = NC * NS
E_TOT = E + N
CHUNK = 128
NBUF = 2
NCHUNK = 82
EW = NCHUNK * CHUNK
E_PAD = EW * NW
ROWS_PER_TILE = N_PAD // NS
W1COLS = 80
W2COLS = 32
DCOLS = 16

_GDN = lax.GatherDimensionNumbers(
    offset_dims=(), collapsed_slice_dims=(0,), start_index_map=(0,))


def _bcast(s, pat):
    return lax.gather(s, pat[:, None], _GDN, slice_sizes=(1,),
                      mode=lax.GatherScatterMode.PROMISE_IN_BOUNDS)



def _mm2_body(x_ref, wa_ref, wb_ref, oa_ref, ob_ref):
    xb = x_ref[...]
    oa_ref[...] = jnp.dot(xb, wa_ref[...], preferred_element_type=jnp.float32)
    ob_ref[...] = jnp.dot(xb, wb_ref[...], preferred_element_type=jnp.float32)


def _mm2(xp, wa, wb):
    blk = 1280
    grid = N_PAD // blk
    return pl.pallas_call(
        _mm2_body,
        grid=(grid,),
        in_specs=[
            pl.BlockSpec((blk, D_IN), lambda i: (i, 0)),
            pl.BlockSpec(wa.shape, lambda i: (0, 0)),
            pl.BlockSpec(wb.shape, lambda i: (0, 0)),
        ],
        out_specs=[
            pl.BlockSpec((blk, wa.shape[1]), lambda i: (i, 0)),
            pl.BlockSpec((blk, wb.shape[1]), lambda i: (i, 0)),
        ],
        out_shape=[
            jax.ShapeDtypeStruct((N_PAD, wa.shape[1]), jnp.float32),
            jax.ShapeDtypeStruct((N_PAD, wb.shape[1]), jnp.float32),
        ],
    )(xp, wa, wb)


def _mid_body(acc_ref, b1_ref, r_ref, wa_ref, wb_ref, oa_ref, ob_ref):
    a0 = acc_ref[0]
    a1 = acc_ref[1]
    m = a0[:, :64] + a1[:, :64]
    d = a0[:, 64:72] + a1[:, 64:72]
    dr = jnp.dot(d, r_ref[...], preferred_element_type=jnp.float32)
    z = m / dr + b1_ref[0]
    h = jnp.where(z > 0, z, jnp.exp(jnp.minimum(z, 0.0)) - 1.0)
    oa_ref[...] = jnp.dot(h, wa_ref[...], preferred_element_type=jnp.float32)
    ob_ref[...] = jnp.dot(h, wb_ref[...], preferred_element_type=jnp.float32)


def _mid(acc1, b1r, r, wa, wb):
    blk = 1280
    grid = N_PAD // blk
    return pl.pallas_call(
        _mid_body,
        grid=(grid,),
        in_specs=[
            pl.BlockSpec((NC, blk, W1COLS), lambda i: (0, i, 0)),
            pl.BlockSpec((1, 64), lambda i: (0, 0)),
            pl.BlockSpec((HEADS, 64), lambda i: (0, 0)),
            pl.BlockSpec((64, W2COLS), lambda i: (0, 0)),
            pl.BlockSpec((64, DCOLS), lambda i: (0, 0)),
        ],
        out_specs=[
            pl.BlockSpec((blk, W2COLS), lambda i: (i, 0)),
            pl.BlockSpec((blk, DCOLS), lambda i: (i, 0)),
        ],
        out_shape=[
            jax.ShapeDtypeStruct((N_PAD, W2COLS), jnp.float32),
            jax.ShapeDtypeStruct((N_PAD, DCOLS), jnp.float32),
        ],
    )(acc1, b1r, r, wa, wb)


def _fin_body(acc_ref, b2_ref, o_ref):
    a0 = acc_ref[0]
    a1 = acc_ref[1]
    m = a0[:, :NCLS] + a1[:, :NCLS]
    den = a0[:, NCLS:NCLS + 1] + a1[:, NCLS:NCLS + 1]
    o_ref[...] = m / den + b2_ref[0]


def _fin(acc2, b2r):
    blk = 2000
    grid = N // blk
    return pl.pallas_call(
        _fin_body,
        grid=(grid,),
        in_specs=[
            pl.BlockSpec((NC, blk, W2COLS), lambda i: (0, i, 0)),
            pl.BlockSpec((1, NCLS), lambda i: (0, 0)),
        ],
        out_specs=pl.BlockSpec((blk, NCLS), lambda i: (i, 0)),
        out_shape=jax.ShapeDtypeStruct((N, NCLS), jnp.float32),
    )(acc2, b2r)



def _edge_body(width, raw_last,
               eidx_r, tab_r, dtab_r, z_r, out_r,
               acc_s, slab,
               rs0, rs1, rd0, rd1, msg,
               sem_s0, sem_s1, sem_d0, sem_d1):
    rs = (rs0, rs1)
    rd = (rd0, rd1)
    sem_s = (sem_s0, sem_s1)
    sem_d = (sem_d0, sem_d1)
    cid = lax.axis_index("c")
    sid = lax.axis_index("s")
    lane = lax.iota(jnp.int32, 16)
    hi = jnp.where(lane >= 8, 1, 0)
    if raw_last:
        pats = [2 * k + hi for k in range(4)]
    else:
        pats = [lane * 0]
    r0 = sid * ROWS_PER_TILE
    pltpu.sync_copy(z_r, acc_s.at[pl.ds(r0, ROWS_PER_TILE)])
    bchunk = (cid * NS + sid) * NCHUNK
    pltpu.sync_copy(eidx_r.at[pl.ds(bchunk, NCHUNK)], slab)
    plsc.subcore_barrier()

    nv = width // 16

    def issue(t, b):
        cp1 = pltpu.async_copy(tab_r.at[slab.at[t, 0]], rs[b], sem_s[b])
        cp2 = pltpu.async_copy(dtab_r.at[slab.at[t, 1]], rd[b], sem_d[b])
        return cp1, cp2

    def drain(t, b):
        pltpu.make_async_copy(tab_r.at[slab.at[t, 0]], rs[b], sem_s[b]).wait()
        pltpu.make_async_copy(dtab_r.at[slab.at[t, 1]], rd[b], sem_d[b]).wait()

    PROBE_SKIP_EDGES = True
    if not PROBE_SKIP_EDGES:
        for b in range(NBUF):
            issue(b, b)

    def outer(g, carry):
        for b in range(NBUF):
            t = g * NBUF + b
            drain(t, b)

            @functools.partial(plsc.parallel_loop, 0, CHUNK, unroll=4)
            def per_edge(e):
                av = rs[b][e, pl.ds(width - 16, 16)]
                dv = rd[b][e, :]
                ev = av + dv
                s = jnp.exp(jnp.maximum(ev, 0.2 * ev))
                for k in range(nv - 1):
                    msg[e, pl.ds(16 * k, 16)] = (
                        rs[b][e, pl.ds(16 * k, 16)] * _bcast(s, pats[k]))
                last = s if raw_last else _bcast(s, pats[0])
                msg[e, pl.ds(width - 16, 16)] = last

            pltpu.sync_copy(msg, acc_s.at[slab.at[t, 1]], add=True)

            @pl.when(t + NBUF < NCHUNK)
            def _():
                issue(t + NBUF, b)
        return carry

    if not PROBE_SKIP_EDGES:
        lax.fori_loop(0, NCHUNK // NBUF, outer, 0)
    plsc.subcore_barrier()
    pltpu.sync_copy(acc_s.at[pl.ds(r0, ROWS_PER_TILE)],
                    out_r.at[cid, pl.ds(r0, ROWS_PER_TILE)])


def _edge_pass(eidx, tab, dtab, zb, width, raw_last):
    mesh = plsc.VectorSubcoreMesh(core_axis_name="c", subcore_axis_name="s",
                                  num_cores=NC, num_subcores=NS)
    f = pl.kernel(
        functools.partial(_edge_body, width, raw_last),
        out_type=jax.ShapeDtypeStruct((NC, N_PAD, width), jnp.float32),
        mesh=mesh,
        scratch_types=(
            [pltpu.VMEM_SHARED((N_PAD, width), jnp.float32),
             pltpu.VMEM((NCHUNK, 2, CHUNK), jnp.int32)]
            + [pltpu.VMEM((CHUNK, width), jnp.float32)] * NBUF
            + [pltpu.VMEM((CHUNK, DCOLS), jnp.float32)] * NBUF
            + [pltpu.VMEM((CHUNK, width), jnp.float32)]
            + [pltpu.SemaphoreType.DMA] * (2 * NBUF)
        ),
        compiler_params=pltpu.CompilerParams(use_tc_tiling_on_sc=False,
                                             needs_layout_passes=False),
    )
    return f(eidx, tab, dtab, zb)



def kernel(x, edge_index, W1, a_src1, a_dst1, b1, W2, a_src2, a_dst2, b2):
    f32 = jnp.float32
    ei = edge_index.astype(jnp.int32)
    loop = jnp.arange(N, dtype=jnp.int32)
    spread = N + (jnp.arange(E_PAD - E_TOT, dtype=jnp.int32) % (N_PAD - N))
    srcs = jnp.concatenate([ei[0], loop, spread])
    dsts = jnp.concatenate([ei[1], loop, spread])
    eidx = jnp.stack(
        [srcs.reshape(-1, CHUNK), dsts.reshape(-1, CHUNK)], axis=1)
    xp = jnp.zeros((N_PAD, D_IN), f32).at[:N].set(x)

    r64 = jnp.arange(64)
    a_cols = r64 // HID
    A_src = jnp.zeros((64, HEADS), f32).at[r64, a_cols].set(a_src1.reshape(-1))
    A_dst = jnp.zeros((64, HEADS), f32).at[r64, a_cols].set(a_dst1.reshape(-1))
    W1a = jnp.concatenate([W1, W1 @ A_src, jnp.zeros((D_IN, 8), f32)], axis=1)
    W1b = jnp.concatenate([W1 @ A_dst, jnp.zeros((D_IN, 8), f32)], axis=1)
    W2a = jnp.concatenate([W2, (W2 @ a_src2[0])[:, None],
                           jnp.zeros((64, 15), f32)], axis=1)
    W2b = jnp.concatenate([(W2 @ a_dst2[0])[:, None],
                           jnp.zeros((64, DCOLS - 1), f32)], axis=1)
    R = jnp.zeros((HEADS, 64), f32).at[a_cols, r64].set(1.0)
    z80 = jnp.zeros((ROWS_PER_TILE, W1COLS), f32)
    z32 = jnp.zeros((ROWS_PER_TILE, W2COLS), f32)
    b1r = b1.reshape(1, 64)
    b2r = b2.reshape(1, NCLS)

    tab1, dtab1 = _mm2(xp, W1a, W1b)
    acc1 = _edge_pass(eidx, tab1, dtab1, z80, W1COLS, True)
    tab2, dtab2 = _mid(acc1, b1r, R, W2a, W2b)
    acc2 = _edge_pass(eidx, tab2, dtab2, z32, W2COLS, False)
    return _fin(acc2, b2r)

# --- scband reference (transcript-rebuilt; emitter-appended) ---
"""Pipeline reference for scband-net-9998683865644 (READ-ONLY COPY).

The authoritative reference and input builder live on the scoring server;
editing this copy changes nothing except your own understanding.
"""

import jax, jax.numpy as jnp
import numpy as np

N = 10000
D_IN = 128
HIDDEN = 8
HEADS = 8
NUM_CLASSES = 16
E = 320000


def setup_inputs(seed: int = 0) -> dict:
    key = jax.random.key(seed)
    ks = jax.random.split(key, 12)
    x = jax.random.normal(ks[0], (N, D_IN), dtype=jnp.float32)
    edge_index = jax.random.randint(ks[1], (2, E), 0, N, dtype=jnp.int64)
    # GATConv layer 1: in=128, out=8, heads=8, concat=True
    W1 = jax.random.normal(ks[2], (D_IN, HEADS * HIDDEN), dtype=jnp.float32) * (1.0 / np.sqrt(D_IN))
    a_src1 = jax.random.normal(ks[3], (HEADS, HIDDEN), dtype=jnp.float32) * 0.1
    a_dst1 = jax.random.normal(ks[4], (HEADS, HIDDEN), dtype=jnp.float32) * 0.1
    b1 = jnp.zeros((HEADS * HIDDEN,), dtype=jnp.float32)
    # GATConv layer 2: in=64, out=num_classes, heads=1, concat=True
    W2 = jax.random.normal(ks[5], (HEADS * HIDDEN, NUM_CLASSES), dtype=jnp.float32) * (1.0 / np.sqrt(HEADS * HIDDEN))
    a_src2 = jax.random.normal(ks[6], (1, NUM_CLASSES), dtype=jnp.float32) * 0.1
    a_dst2 = jax.random.normal(ks[7], (1, NUM_CLASSES), dtype=jnp.float32) * 0.1
    b2 = jnp.zeros((NUM_CLASSES,), dtype=jnp.float32)
    return {"x": x, "edge_index": edge_index, "W1": W1, "a_src1": a_src1, "a_dst1": a_dst1, "b1": b1, "W2": W2, "a_src2": a_src2, "a_dst2": a_dst2, "b2": b2}


def _add_self_loops(edge_index, n):
    loop = jnp.arange(n, dtype=edge_index.dtype)
    loops = jnp.stack([loop, loop], axis=0)
    return jnp.concatenate([edge_index, loops], axis=1)


def _gat_layer(x, edge_index, W, a_src, a_dst, bias, heads, out_ch, n):
    h = (x @ W).reshape(n, heads, out_ch)
    src = edge_index[0]
    dst = edge_index[1]
    alpha_src = jnp.sum(h * a_src[None, :, :], axis=-1)  # [N, heads]
    alpha_dst = jnp.sum(h * a_dst[None, :, :], axis=-1)  # [N, heads]
    e = alpha_src[src] + alpha_dst[dst]  # [E, heads]
    e = jax.nn.leaky_relu(e, negative_slope=0.2)
    # numerically stable softmax over incoming edges per destination node
    e_max = jax.ops.segment_max(e, dst, num_segments=n)
    e_max = jnp.where(jnp.isfinite(e_max), e_max, 0.0)
    e_exp = jnp.exp(e - e_max[dst])
    denom = jax.ops.segment_sum(e_exp, dst, num_segments=n)
    alpha = e_exp / (denom[dst] + 1e-16)  # [E, heads]
    msg = h[src] * alpha[:, :, None]  # [E, heads, out_ch]
    out = jax.ops.segment_sum(msg, dst, num_segments=n)  # [N, heads, out_ch]
    out = out.reshape(n, heads * out_ch)
    return out + bias[None, :]


def reference(x, edge_index, W1, a_src1, a_dst1, b1, W2, a_src2, a_dst2, b2):
    # eval mode: F.dropout is identity, GAT attention dropout inactive
    ei = _add_self_loops(edge_index, N)
    h = _gat_layer(x, ei, W1, a_src1, a_dst1, b1, HEADS, HIDDEN, N)
    h = jax.nn.elu(h)
    out = _gat_layer(h, ei, W2, a_src2, a_dst2, b2, 1, NUM_CLASSES, N)
    return out

if __name__ == "__main__":
    import jax
    _d = setup_inputs()
    print(jax.jit(kernel)(*tuple(_d.values())))

</pallas_src>

<mosaic_0001>
#map = affine_map<(d0, d1) -> (0, 0, 0)>
#map1 = affine_map<(d0, d1) -> (0, 0)>
module attributes {stable_mosaic.version = 14 : i64} {
  func.func @_edge_body(%arg0: i32, %arg1: i32, %arg2: memref<2624x2x128xi32, #tpu.memory_space<hbm>>, %arg3: memref<10240x32xf32, #tpu.memory_space<hbm>>, %arg4: memref<10240x16xf32, #tpu.memory_space<hbm>>, %arg5: memref<640x32xf32, #tpu.memory_space<hbm>>, %arg6: memref<2x10240x32xf32, #tpu.memory_space<hbm>>, %arg7: memref<10240x32xf32, #tpu.memory_space<vmem_shared>>, %arg8: memref<82x2x128xi32, #tpu.memory_space<vmem>>, %arg9: memref<128x32xf32, #tpu.memory_space<vmem>>, %arg10: memref<128x32xf32, #tpu.memory_space<vmem>>, %arg11: memref<128x16xf32, #tpu.memory_space<vmem>>, %arg12: memref<128x16xf32, #tpu.memory_space<vmem>>, %arg13: memref<128x32xf32, #tpu.memory_space<vmem>>, %arg14: memref<!tpu.dma_semaphore, #tpu.memory_space<semaphore_mem>>, %arg15: memref<!tpu.dma_semaphore, #tpu.memory_space<semaphore_mem>>, %arg16: memref<!tpu.dma_semaphore, #tpu.memory_space<semaphore_mem>>, %arg17: memref<!tpu.dma_semaphore, #tpu.memory_space<semaphore_mem>>) attributes {dimension_semantics = [#tpu.dimension_semantics<core_parallel>, #tpu.dimension_semantics<subcore_parallel>], iteration_bounds = array<i64: 2, 16>, scalar_prefetch = 0 : i64, scratch_operands = 11 : i64, tpu.core_type = #tpu.core_type<sc_vector_subcore>, window_params = [{transform_indices = #map}, {transform_indices = #map1}, {transform_indices = #map1}, {transform_indices = #map1}, {transform_indices = #map}]} {
    %iota3A = tpu.iota {dimensions = array<i32: 0>} : vector<16xi32>
    %ge3A = arith.constant 8 : i32
    %ge3A_0 = vector.broadcast %ge3A : i32 to vector<16xi32>
    %ge3A_1 = arith.cmpi sge, %iota3A, %ge3A_0 : vector<16xi32>
    %jit3A = arith.constant 1 : i32
    %jit3A_2 = arith.constant 0 : i32
    %broadcast_in_dim3A = vector.broadcast %jit3A : i32 to vector<16xi32>
    %broadcast_in_dim3A_3 = vector.broadcast %jit3A_2 : i32 to vector<16xi32>
    %select_n3A = arith.select %ge3A_1, %broadcast_in_dim3A, %broadcast_in_dim3A_3 : vector<16xi1>, vector<16xi32>
    %mul3A = arith.constant 0 : i32
    %mul3A_4 = vector.broadcast %mul3A : i32 to vector<16xi32>
    %mul3A_5 = arith.muli %iota3A, %mul3A_4 : vector<16xi32>
    %mul3A_6 = arith.constant 640 : i32
    %mul3A_7 = arith.muli %arg1, %mul3A_6 : i32
    "tpu.region"() ({
      %run_scoped3A = tpu.sem_alloc : memref<!tpu.dma_semaphore, #tpu.memory_space<semaphore_mem>>
      %dma_start3A = arith.constant 0 : i32
      %dma_start3A_13 = tpu.memref_slice %arg7[%mul3A_7, %dma_start3A] : memref<10240x32xf32, #tpu.memory_space<vmem_shared>> -> memref<640x32xf32, #tpu.memory_space<vmem_shared>>
      tpu.enqueue_dma source(%arg5 : memref<640x32xf32, #tpu.memory_space<hbm>>) target(%dma_start3A_13 : memref<640x32xf32, #tpu.memory_space<vmem_shared>>) target_semaphore(%run_scoped3A : memref<!tpu.dma_semaphore, #tpu.memory_space<semaphore_mem>>)
      %dma_wait3A = arith.constant 0 : i32
      %dma_wait3A_14 = tpu.memref_slice %arg7[%mul3A_7, %dma_wait3A] : memref<10240x32xf32, #tpu.memory_space<vmem_shared>> -> memref<640x32xf32, #tpu.memory_space<vmem_shared>>
      tpu.wait_dma2 semaphore(%run_scoped3A : memref<!tpu.dma_semaphore, #tpu.memory_space<semaphore_mem>>) src(%arg5 : memref<640x32xf32, #tpu.memory_space<hbm>>) dst(%dma_wait3A_14 : memref<640x32xf32, #tpu.memory_space<vmem_shared>>)
      tpu.yield
    }) : () -> ()
    %mul3A_8 = arith.constant 16 : i32
    %mul3A_9 = arith.muli %arg0, %mul3A_8 : i32
    %add3A = arith.addi %mul3A_9, %arg1 : i32
    %mul3A_10 = arith.constant 82 : i32
    %mul3A_11 = arith.muli %add3A, %mul3A_10 : i32
    "tpu.region"() ({
      %run_scoped3A = tpu.sem_alloc : memref<!tpu.dma_semaphore, #tpu.memory_space<semaphore_mem>>
      %dma_start3A = arith.constant 0 : i32
      %dma_start3A_13 = arith.constant 0 : i32
      %dma_start3A_14 = tpu.memref_slice %arg2[%mul3A_11, %dma_start3A, %dma_start3A_13] : memref<2624x2x128xi32, #tpu.memory_space<hbm>> -> memref<82x2x128xi32, #tpu.memory_space<hbm>>
      %dma_start3A_15 = arith.constant 0 : i32
      %dma_start3A_16 = arith.constant 0 : i32
      %dma_start3A_17 = tpu.memref_slice %arg2[%mul3A_11, %dma_start3A_15, %dma_start3A_16] : memref<2624x2x128xi32, #tpu.memory_space<hbm>> -> memref<82x2x128xi32, #tpu.memory_space<hbm>>
      tpu.enqueue_dma source(%dma_start3A_17 : memref<82x2x128xi32, #tpu.memory_space<hbm>>) target(%arg8 : memref<82x2x128xi32, #tpu.memory_space<vmem>>) target_semaphore(%run_scoped3A : memref<!tpu.dma_semaphore, #tpu.memory_space<semaphore_mem>>)
      %dma_wait3A = arith.constant 0 : i32
      %dma_wait3A_18 = arith.constant 0 : i32
      %dma_wait3A_19 = tpu.memref_slice %arg2[%mul3A_11, %dma_wait3A, %dma_wait3A_18] : memref<2624x2x128xi32, #tpu.memory_space<hbm>> -> memref<82x2x128xi32, #tpu.memory_space<hbm>>
      %dma_wait3A_20 = arith.constant 0 : i32
      %dma_wait3A_21 = arith.constant 0 : i32
      %dma_wait3A_22 = tpu.memref_slice %arg2[%mul3A_11, %dma_wait3A_20, %dma_wait3A_21] : memref<2624x2x128xi32, #tpu.memory_space<hbm>> -> memref<82x2x128xi32, #tpu.memory_space<hbm>>
      tpu.wait_dma2 semaphore(%run_scoped3A : memref<!tpu.dma_semaphore, #tpu.memory_space<semaphore_mem>>) src(%dma_wait3A_22 : memref<82x2x128xi32, #tpu.memory_space<hbm>>) dst(%arg8 : memref<82x2x128xi32, #tpu.memory_space<vmem>>)
      tpu.yield
    }) : () -> ()
    %barrier3A = arith.constant 0 : index
    tpu.barrier barrier_id(%barrier3A)
    %barrier3A_12 = arith.constant 0 : index
    tpu.barrier barrier_id(%barrier3A_12)
    "tpu.region"() ({
      %run_scoped3A = tpu.sem_alloc : memref<!tpu.dma_semaphore, #tpu.memory_space<semaphore_mem>>
      %dma_start3A = arith.constant 0 : i32
      %dma_start3A_13 = tpu.memref_slice %arg6[%arg0, %mul3A_7, %dma_start3A] : memref<2x10240x32xf32, #tpu.memory_space<hbm>> -> memref<1x640x32xf32, #tpu.memory_space<hbm>>
      %dma_start3A_14 = tpu.memref_squeeze %dma_start3A_13 : memref<1x640x32xf32, #tpu.memory_space<hbm>> -> memref<640x32xf32, #tpu.memory_space<hbm>>
      %dma_start3A_15 = arith.constant 0 : i32
      %dma_start3A_16 = tpu.memref_slice %arg7[%mul3A_7, %dma_start3A_15] : memref<10240x32xf32, #tpu.memory_space<vmem_shared>> -> memref<640x32xf32, #tpu.memory_space<vmem_shared>>
      tpu.enqueue_dma source(%dma_start3A_16 : memref<640x32xf32, #tpu.memory_space<vmem_shared>>) target(%dma_start3A_14 : memref<640x32xf32, #tpu.memory_space<hbm>>) target_semaphore(%run_scoped3A : memref<!tpu.dma_semaphore, #tpu.memory_space<semaphore_mem>>)
      %dma_wait3A = arith.constant 0 : i32
      %dma_wait3A_17 = tpu.memref_slice %arg6[%arg0, %mul3A_7, %dma_wait3A] : memref<2x10240x32xf32, #tpu.memory_space<hbm>> -> memref<1x640x32xf32, #tpu.memory_space<hbm>>
      %dma_wait3A_18 = tpu.memref_squeeze %dma_wait3A_17 : memref<1x640x32xf32, #tpu.memory_space<hbm>> -> memref<640x32xf32, #tpu.memory_space<hbm>>
      %dma_wait3A_19 = arith.constant 0 : i32
      %dma_wait3A_20 = tpu.memref_slice %arg7[%mul3A_7, %dma_wait3A_19] : memref<10240x32xf32, #tpu.memory_space<vmem_shared>> -> memref<640x32xf32, #tpu.memory_space<vmem_shared>>
      tpu.wait_dma2 semaphore(%run_scoped3A : memref<!tpu.dma_semaphore, #tpu.memory_space<semaphore_mem>>) src(%dma_wait3A_20 : memref<640x32xf32, #tpu.memory_space<vmem_shared>>) dst(%dma_wait3A_18 : memref<640x32xf32, #tpu.memory_space<hbm>>)
      tpu.yield
    }) : () -> ()
    return
  }
}

#map = affine_map<(d0, d1) -> (0, 0, 0)>
#map1 = affine_map<(d0, d1) -> (0, 0)>
module attributes {stable_mosaic.version = 14 : i64} {
  func.func @_edge_body(%arg0: i32, %arg1: i32, %arg2: memref<2624x2x128xi32, #tpu.memory_space<hbm>>, %arg3: memref<10240x80xf32, #tpu.memory_space<hbm>>, %arg4: memref<10240x16xf32, #tpu.memory_space<hbm>>, %arg5: memref<640x80xf32, #tpu.memory_space<hbm>>, %arg6: memref<2x10240x80xf32, #tpu.memory_space<hbm>>, %arg7: memref<10240x80xf32, #tpu.memory_space<vmem_shared>>, %arg8: memref<82x2x128xi32, #tpu.memory_space<vmem>>, %arg9: memref<128x80xf32, #tpu.memory_space<vmem>>, %arg10: memref<128x80xf32, #tpu.memory_space<vmem>>, %arg11: memref<128x16xf32, #tpu.memory_space<vmem>>, %arg12: memref<128x16xf32, #tpu.memory_space<vmem>>, %arg13: memref<128x80xf32, #tpu.memory_space<vmem>>, %arg14: memref<!tpu.dma_semaphore, #tpu.memory_space<semaphore_mem>>, %arg15: memref<!tpu.dma_semaphore, #tpu.memory_space<semaphore_mem>>, %arg16: memref<!tpu.dma_semaphore, #tpu.memory_space<semaphore_mem>>, %arg17: memref<!tpu.dma_semaphore, #tpu.memory_space<semaphore_mem>>) attributes {dimension_semantics = [#tpu.dimension_semantics<core_parallel>, #tpu.dimension_semantics<subcore_parallel>], iteration_bounds = array<i64: 2, 16>, scalar_prefetch = 0 : i64, scratch_operands = 11 : i64, tpu.core_type = #tpu.core_type<sc_vector_subcore>, window_params = [{transform_indices = #map}, {transform_indices = #map1}, {transform_indices = #map1}, {transform_indices = #map1}, {transform_indices = #map}]} {
    %iota3A = tpu.iota {dimensions = array<i32: 0>} : vector<16xi32>
    %ge3A = arith.constant 8 : i32
    %ge3A_0 = vector.broadcast %ge3A : i32 to vector<16xi32>
    %ge3A_1 = arith.cmpi sge, %iota3A, %ge3A_0 : vector<16xi32>
    %jit3A = arith.constant 1 : i32
    %jit3A_2 = arith.constant 0 : i32
    %broadcast_in_dim3A = vector.broadcast %jit3A : i32 to vector<16xi32>
    %broadcast_in_dim3A_3 = vector.broadcast %jit3A_2 : i32 to vector<16xi32>
    %select_n3A = arith.select %ge3A_1, %broadcast_in_dim3A, %broadcast_in_dim3A_3 : vector<16xi1>, vector<16xi32>
    %add3A = arith.constant 0 : i32
    %add3A_4 = vector.broadcast %add3A : i32 to vector<16xi32>
    %add3A_5 = arith.addi %add3A_4, %select_n3A : vector<16xi32>
    %add3A_6 = arith.constant 2 : i32
    %add3A_7 = vector.broadcast %add3A_6 : i32 to vector<16xi32>
    %add3A_8 = arith.addi %add3A_7, %select_n3A : vector<16xi32>
    %add3A_9 = arith.constant 4 : i32
    %add3A_10 = vector.broadcast %add3A_9 : i32 to vector<16xi32>
    %add3A_11 = arith.addi %add3A_10, %select_n3A : vector<16xi32>
    %add3A_12 = arith.constant 6 : i32
    %add3A_13 = vector.broadcast %add3A_12 : i32 to vector<16xi32>
    %add3A_14 = arith.addi %add3A_13, %select_n3A : vector<16xi32>
    %mul3A = arith.constant 640 : i32
    %mul3A_15 = arith.muli %arg1, %mul3A : i32
    "tpu.region"() ({
      %run_scoped3A = tpu.sem_alloc : memref<!tpu.dma_semaphore, #tpu.memory_space<semaphore_mem>>
      %dma_start3A = arith.constant 0 : i32
      %dma_start3A_22 = tpu.memref_slice %arg7[%mul3A_15, %dma_start3A] : memref<10240x80xf32, #tpu.memory_space<vmem_shared>> -> memref<640x80xf32, #tpu.memory_space<vmem_shared>>
      tpu.enqueue_dma source(%arg5 : memref<640x80xf32, #tpu.memory_space<hbm>>) target(%dma_start3A_22 : memref<640x80xf32, #tpu.memory_space<vmem_shared>>) target_semaphore(%run_scoped3A : memref<!tpu.dma_semaphore, #tpu.memory_space<semaphore_mem>>)
      %dma_wait3A = arith.constant 0 : i32
      %dma_wait3A_23 = tpu.memref_slice %arg7[%mul3A_15, %dma_wait3A] : memref<10240x80xf32, #tpu.memory_space<vmem_shared>> -> memref<640x80xf32, #tpu.memory_space<vmem_shared>>
      tpu.wait_dma2 semaphore(%run_scoped3A : memref<!tpu.dma_semaphore, #tpu.memory_space<semaphore_mem>>) src(%arg5 : memref<640x80xf32, #tpu.memory_space<hbm>>) dst(%dma_wait3A_23 : memref<640x80xf32, #tpu.memory_space<vmem_shared>>)
      tpu.yield
    }) : () -> ()
    %mul3A_16 = arith.constant 16 : i32
    %mul3A_17 = arith.muli %arg0, %mul3A_16 : i32
    %add3A_18 = arith.addi %mul3A_17, %arg1 : i32
    %mul3A_19 = arith.constant 82 : i32
    %mul3A_20 = arith.muli %add3A_18, %mul3A_19 : i32
    "tpu.region"() ({
      %run_scoped3A = tpu.sem_alloc : memref<!tpu.dma_semaphore, #tpu.memory_space<semaphore_mem>>
      %dma_start3A = arith.constant 0 : i32
      %dma_start3A_22 = arith.constant 0 : i32
      %dma_start3A_23 = tpu.memref_slice %arg2[%mul3A_20, %dma_start3A, %dma_start3A_22] : memref<2624x2x128xi32, #tpu.memory_space<hbm>> -> memref<82x2x128xi32, #tpu.memory_space<hbm>>
      %dma_start3A_24 = arith.constant 0 : i32
      %dma_start3A_25 = arith.constant 0 : i32
      %dma_start3A_26 = tpu.memref_slice %arg2[%mul3A_20, %dma_start3A_24, %dma_start3A_25] : memref<2624x2x128xi32, #tpu.memory_space<hbm>> -> memref<82x2x128xi32, #tpu.memory_space<hbm>>
      tpu.enqueue_dma source(%dma_start3A_26 : memref<82x2x128xi32, #tpu.memory_space<hbm>>) target(%arg8 : memref<82x2x128xi32, #tpu.memory_space<vmem>>) target_semaphore(%run_scoped3A : memref<!tpu.dma_semaphore, #tpu.memory_space<semaphore_mem>>)
      %dma_wait3A = arith.constant 0 : i32
      %dma_wait3A_27 = arith.constant 0 : i32
      %dma_wait3A_28 = tpu.memref_slice %arg2[%mul3A_20, %dma_wait3A, %dma_wait3A_27] : memref<2624x2x128xi32, #tpu.memory_space<hbm>> -> memref<82x2x128xi32, #tpu.memory_space<hbm>>
      %dma_wait3A_29 = arith.constant 0 : i32
      %dma_wait3A_30 = arith.constant 0 : i32
      %dma_wait3A_31 = tpu.memref_slice %arg2[%mul3A_20, %dma_wait3A_29, %dma_wait3A_30] : memref<2624x2x128xi32, #tpu.memory_space<hbm>> -> memref<82x2x128xi32, #tpu.memory_space<hbm>>
      tpu.wait_dma2 semaphore(%run_scoped3A : memref<!tpu.dma_semaphore, #tpu.memory_space<semaphore_mem>>) src(%dma_wait3A_31 : memref<82x2x128xi32, #tpu.memory_space<hbm>>) dst(%arg8 : memref<82x2x128xi32, #tpu.memory_space<vmem>>)
      tpu.yield
    }) : () -> ()
    %barrier3A = arith.constant 0 : index
    tpu.barrier barrier_id(%barrier3A)
    %barrier3A_21 = arith.constant 0 : index
    tpu.barrier barrier_id(%barrier3A_21)
    "tpu.region"() ({
      %run_scoped3A = tpu.sem_alloc : memref<!tpu.dma_semaphore, #tpu.memory_space<semaphore_mem>>
      %dma_start3A = arith.constant 0 : i32
      %dma_start3A_22 = tpu.memref_slice %arg6[%arg0, %mul3A_15, %dma_start3A] : memref<2x10240x80xf32, #tpu.memory_space<hbm>> -> memref<1x640x80xf32, #tpu.memory_space<hbm>>
      %dma_start3A_23 = tpu.memref_squeeze %dma_start3A_22 : memref<1x640x80xf32, #tpu.memory_space<hbm>> -> memref<640x80xf32, #tpu.memory_space<hbm>>
      %dma_start3A_24 = arith.constant 0 : i32
      %dma_start3A_25 = tpu.memref_slice %arg7[%mul3A_15, %dma_start3A_24] : memref<10240x80xf32, #tpu.memory_space<vmem_shared>> -> memref<640x80xf32, #tpu.memory_space<vmem_shared>>
      tpu.enqueue_dma source(%dma_start3A_25 : memref<640x80xf32, #tpu.memory_space<vmem_shared>>) target(%dma_start3A_23 : memref<640x80xf32, #tpu.memory_space<hbm>>) target_semaphore(%run_scoped3A : memref<!tpu.dma_semaphore, #tpu.memory_space<semaphore_mem>>)
      %dma_wait3A = arith.constant 0 : i32
      %dma_wait3A_26 = tpu.memref_slice %arg6[%arg0, %mul3A_15, %dma_wait3A] : memref<2x10240x80xf32, #tpu.memory_space<hbm>> -> memref<1x640x80xf32, #tpu.memory_space<hbm>>
      %dma_wait3A_27 = tpu.memref_squeeze %dma_wait3A_26 : memref<1x640x80xf32, #tpu.memory_space<hbm>> -> memref<640x80xf32, #tpu.memory_space<hbm>>
      %dma_wait3A_28 = arith.constant 0 : i32
      %dma_wait3A_29 = tpu.memref_slice %arg7[%mul3A_15, %dma_wait3A_28] : memref<10240x80xf32, #tpu.memory_space<vmem_shared>> -> memref<640x80xf32, #tpu.memory_space<vmem_shared>>
      tpu.wait_dma2 semaphore(%run_scoped3A : memref<!tpu.dma_semaphore, #tpu.memory_space<semaphore_mem>>) src(%dma_wait3A_29 : memref<640x80xf32, #tpu.memory_space<vmem_shared>>) dst(%dma_wait3A_27 : memref<640x80xf32, #tpu.memory_space<hbm>>)
      tpu.yield
    }) : () -> ()
    return
  }
}

module attributes {stable_mosaic.version = 14 : i64} {
  func.func @_mm2_body(%arg0: i32, %arg1: memref<1280x128xf32, #tpu.memory_space<vmem>>, %arg2: memref<128x80xf32, #tpu.memory_space<vmem>>, %arg3: memref<128x16xf32, #tpu.memory_space<vmem>>, %arg4: memref<1280x80xf32, #tpu.memory_space<vmem>>, %arg5: memref<1280x16xf32, #tpu.memory_space<vmem>>) attributes {dimension_semantics = [#tpu.dimension_semantics<arbitrary>], iteration_bounds = array<i64: 8>, scalar_prefetch = 0 : i64, scratch_operands = 0 : i64, tpu.core_type = #tpu.core_type<tc>, window_params = [{transform_indices = @transform_0, window_bounds = array<i64: 1280, 128>}, {pipeline_mode = #tpu.pipeline_mode<synchronous>, transform_indices = @transform_1, window_bounds = array<i64: 128, 80>}, {pipeline_mode = #tpu.pipeline_mode<synchronous>, transform_indices = @transform_2, window_bounds = array<i64: 128, 16>}, {transform_indices = @transform_3, window_bounds = array<i64: 1280, 80>}, {transform_indices = @transform_4, window_bounds = array<i64: 1280, 16>}]} {
    %get3A = arith.constant 0 : index
    %get3A_0 = arith.constant 0 : index
    %get3A_1 = vector.load %arg1[%get3A, %get3A_0] : memref<1280x128xf32, #tpu.memory_space<vmem>>, vector<1280x128xf32>
    %get3A_2 = arith.constant 0 : index
    %get3A_3 = arith.constant 0 : index
    %get3A_4 = vector.load %arg2[%get3A_2, %get3A_3] : memref<128x80xf32, #tpu.memory_space<vmem>>, vector<128x80xf32>
    %dot_general3A = arith.constant dense<0.000000e+00> : vector<1280x80xf32>
    %dot_general3A_5 = tpu.matmul %get3A_1, %get3A_4, %dot_general3A {dimension_numbers = #tpu.dot_dimension_numbers<[1], [0], [0], [1], [0, 0, 1, 1], [], []>, transpose_lhs_hint = false} : vector<1280x128xf32>, vector<128x80xf32>, vector<1280x80xf32> -> vector<1280x80xf32>
    %swap3A = arith.constant 0 : index
    %swap3A_6 = arith.constant 0 : index
    %swap3A_7 = vector.load %arg4[%swap3A, %swap3A_6] : memref<1280x80xf32, #tpu.memory_space<vmem>>, vector<1280x80xf32>
    tpu.vector_store %arg4[%swap3A, %swap3A_6], %dot_general3A_5 {strides = array<i32>} : memref<1280x80xf32, #tpu.memory_space<vmem>>, vector<1280x80xf32>,
    %get3A_8 = arith.constant 0 : index
    %get3A_9 = arith.constant 0 : index
    %get3A_10 = vector.load %arg3[%get3A_8, %get3A_9] : memref<128x16xf32, #tpu.memory_space<vmem>>, vector<128x16xf32>
    %dot_general3A_11 = arith.constant dense<0.000000e+00> : vector<1280x16xf32>
    %dot_general3A_12 = tpu.matmul %get3A_1, %get3A_10, %dot_general3A_11 {dimension_numbers = #tpu.dot_dimension_numbers<[1], [0], [0], [1], [0, 0, 1, 1], [], []>, transpose_lhs_hint = false} : vector<1280x128xf32>, vector<128x16xf32>, vector<1280x16xf32> -> vector<1280x16xf32>
    %swap3A_13 = arith.constant 0 : index
    %swap3A_14 = arith.constant 0 : index
    %swap3A_15 = vector.load %arg5[%swap3A_13, %swap3A_14] : memref<1280x16xf32, #tpu.memory_space<vmem>>, vector<1280x16xf32>
    tpu.vector_store %arg5[%swap3A_13, %swap3A_14], %dot_general3A_12 {strides = array<i32>} : memref<1280x16xf32, #tpu.memory_space<vmem>>, vector<1280x16xf32>,
    return
  }
  func.func @transform_0(%arg0: i32) -> (i32, i32) {
    %c0_i32 = arith.constant 0 : i32
    %c0_i32_0 = arith.constant 0 : i32
    return %arg0, %c0_i32 : i32, i32
  }
  func.func @transform_1(%arg0: i32) -> (i32, i32) {
    %c0_i32 = arith.constant 0 : i32
    %c0_i32_0 = arith.constant 0 : i32
    %c0_i32_1 = arith.constant 0 : i32
    return %c0_i32, %c0_i32_0 : i32, i32
  }
  func.func @transform_2(%arg0: i32) -> (i32, i32) {
    %c0_i32 = arith.constant 0 : i32
    %c0_i32_0 = arith.constant 0 : i32
    %c0_i32_1 = arith.constant 0 : i32
    return %c0_i32, %c0_i32_0 : i32, i32
  }
  func.func @transform_3(%arg0: i32) -> (i32, i32) {
    %c0_i32 = arith.constant 0 : i32
    %c0_i32_0 = arith.constant 0 : i32
    return %arg0, %c0_i32 : i32, i32
  }
  func.func @transform_4(%arg0: i32) -> (i32, i32) {
    %c0_i32 = arith.constant 0 : i32
    %c0_i32_0 = arith.constant 0 : i32
    return %arg0, %c0_i32 : i32, i32
  }
}

module attributes {stable_mosaic.version = 14 : i64} {
  func.func @_mid_body(%arg0: i32, %arg1: memref<2x1280x80xf32, #tpu.memory_space<vmem>>, %arg2: memref<1x64xf32, #tpu.memory_space<vmem>>, %arg3: memref<8x64xf32, #tpu.memory_space<vmem>>, %arg4: memref<64x32xf32, #tpu.memory_space<vmem>>, %arg5: memref<64x16xf32, #tpu.memory_space<vmem>>, %arg6: memref<1280x32xf32, #tpu.memory_space<vmem>>, %arg7: memref<1280x16xf32, #tpu.memory_space<vmem>>) attributes {dimension_semantics = [#tpu.dimension_semantics<arbitrary>], iteration_bounds = array<i64: 8>, scalar_prefetch = 0 : i64, scratch_operands = 0 : i64, tpu.core_type = #tpu.core_type<tc>, window_params = [{transform_indices = @transform_0, window_bounds = array<i64: 2, 1280, 80>}, {pipeline_mode = #tpu.pipeline_mode<synchronous>, transform_indices = @transform_1, window_bounds = array<i64: 1, 64>}, {pipeline_mode = #tpu.pipeline_mode<synchronous>, transform_indices = @transform_2, window_bounds = array<i64: 8, 64>}, {pipeline_mode = #tpu.pipeline_mode<synchronous>, transform_indices = @transform_3, window_bounds = array<i64: 64, 32>}, {pipeline_mode = #tpu.pipeline_mode<synchronous>, transform_indices = @transform_4, window_bounds = array<i64: 64, 16>}, {transform_indices = @transform_5, window_bounds = array<i64: 1280, 32>}, {transform_indices = @transform_6, window_bounds = array<i64: 1280, 16>}]} {
    %get3A = arith.constant 0 : index
    %get3A_0 = arith.constant 0 : index
    %get3A_1 = arith.constant 0 : index
    %get3A_2 = vector.load %arg1[%get3A, %get3A_0, %get3A_1] : memref<2x1280x80xf32, #tpu.memory_space<vmem>>, vector<1x1280x80xf32>
    %get3A_3 = vector.shape_cast %get3A_2 : vector<1x1280x80xf32> to vector<1280x80xf32>
    %get3A_4 = arith.constant 1 : index
    %get3A_5 = arith.constant 0 : index
    %get3A_6 = arith.constant 0 : index
    %get3A_7 = vector.load %arg1[%get3A_4, %get3A_5, %get3A_6] : memref<2x1280x80xf32, #tpu.memory_space<vmem>>, vector<1x1280x80xf32>
    %get3A_8 = vector.shape_cast %get3A_7 : vector<1x1280x80xf32> to vector<1280x80xf32>
    %slice3A = vector.extract_strided_slice %get3A_3 {offsets = [0, 0], sizes = [1280, 64], strides = [1, 1]} : vector<1280x80xf32> to vector<1280x64xf32>
    %slice3A_9 = vector.extract_strided_slice %get3A_8 {offsets = [0, 0], sizes = [1280, 64], strides = [1, 1]} : vector<1280x80xf32> to vector<1280x64xf32>
    %add3A = arith.addf %slice3A, %slice3A_9 : vector<1280x64xf32>
    %slice3A_10 = vector.extract_strided_slice %get3A_3 {offsets = [0, 64], sizes = [1280, 8], strides = [1, 1]} : vector<1280x80xf32> to vector<1280x8xf32>
    %slice3A_11 = vector.extract_strided_slice %get3A_8 {offsets = [0, 64], sizes = [1280, 8], strides = [1, 1]} : vector<1280x80xf32> to vector<1280x8xf32>
    %add3A_12 = arith.addf %slice3A_10, %slice3A_11 : vector<1280x8xf32>
    %get3A_13 = arith.constant 0 : index
    %get3A_14 = arith.constant 0 : index
    %get3A_15 = vector.load %arg3[%get3A_13, %get3A_14] : memref<8x64xf32, #tpu.memory_space<vmem>>, vector<8x64xf32>
    %dot_general3A = arith.constant dense<0.000000e+00> : vector<1280x64xf32>
    %dot_general3A_16 = tpu.matmul %add3A_12, %get3A_15, %dot_general3A {dimension_numbers = #tpu.dot_dimension_numbers<[1], [0], [0], [1], [0, 0, 1, 1], [], []>, transpose_lhs_hint = false} : vector<1280x8xf32>, vector<8x64xf32>, vector<1280x64xf32> -> vector<1280x64xf32>
    %div3A = arith.divf %add3A, %dot_general3A_16 : vector<1280x64xf32>
    %get3A_17 = arith.constant 0 : index
    %get3A_18 = arith.constant 0 : index
    %get3A_19 = vector.load %arg2[%get3A_17, %get3A_18] : memref<1x64xf32, #tpu.memory_space<vmem>>, vector<1x64xf32>
    %get3A_20 = vector.shape_cast %get3A_19 : vector<1x64xf32> to vector<64xf32>
    %broadcast_in_dim3A = vector.shape_cast %get3A_20 : vector<64xf32> to vector<1x64xf32>
    %add3A_21 = vector.broadcast %broadcast_in_dim3A : vector<1x64xf32> to vector<1280x64xf32>
    %add3A_22 = arith.addf %div3A, %add3A_21 : vector<1280x64xf32>
    %gt3A = arith.constant 0.000000e+00 : f32
    %gt3A_23 = vector.broadcast %gt3A : f32 to vector<1280x64xf32>
    %gt3A_24 = arith.cmpf ogt, %add3A_22, %gt3A_23 : vector<1280x64xf32>
    %min3A = arith.constant 0.000000e+00 : f32
    %min3A_25 = vector.broadcast %min3A : f32 to vector<1280x64xf32>
    %min3A_26 = arith.minimumf %add3A_22, %min3A_25 : vector<1280x64xf32>
    %exp3A = math.exp %min3A_26 : vector<1280x64xf32>
    %sub3A = arith.constant 1.000000e+00 : f32
    %sub3A_27 = vector.broadcast %sub3A : f32 to vector<1280x64xf32>
    %sub3A_28 = arith.subf %exp3A, %sub3A_27 : vector<1280x64xf32>
    %select_n3A = arith.select %gt3A_24, %add3A_22, %sub3A_28 : vector<1280x64xi1>, vector<1280x64xf32>
    %get3A_29 = arith.constant 0 : index
    %get3A_30 = arith.constant 0 : index
    %get3A_31 = vector.load %arg4[%get3A_29, %get3A_30] : memref<64x32xf32, #tpu.memory_space<vmem>>, vector<64x32xf32>
    %dot_general3A_32 = arith.constant dense<0.000000e+00> : vector<1280x32xf32>
    %dot_general3A_33 = tpu.matmul %select_n3A, %get3A_31, %dot_general3A_32 {dimension_numbers = #tpu.dot_dimension_numbers<[1], [0], [0], [1], [0, 0, 1, 1], [], []>, transpose_lhs_hint = false} : vector<1280x64xf32>, vector<64x32xf32>, vector<1280x32xf32> -> vector<1280x32xf32>
    %swap3A = arith.constant 0 : index
    %swap3A_34 = arith.constant 0 : index
    %swap3A_35 = vector.load %arg6[%swap3A, %swap3A_34] : memref<1280x32xf32, #tpu.memory_space<vmem>>, vector<1280x32xf32>
    tpu.vector_store %arg6[%swap3A, %swap3A_34], %dot_general3A_33 {strides = array<i32>} : memref<1280x32xf32, #tpu.memory_space<vmem>>, vector<1280x32xf32>,
    %get3A_36 = arith.constant 0 : index
    %get3A_37 = arith.constant 0 : index
    %get3A_38 = vector.load %arg5[%get3A_36, %get3A_37] : memref<64x16xf32, #tpu.memory_space<vmem>>, vector<64x16xf32>
    %dot_general3A_39 = arith.constant dense<0.000000e+00> : vector<1280x16xf32>
    %dot_general3A_40 = tpu.matmul %select_n3A, %get3A_38, %dot_general3A_39 {dimension_numbers = #tpu.dot_dimension_numbers<[1], [0], [0], [1], [0, 0, 1, 1], [], []>, transpose_lhs_hint = false} : vector<1280x64xf32>, vector<64x16xf32>, vector<1280x16xf32> -> vector<1280x16xf32>
    %swap3A_41 = arith.constant 0 : index
    %swap3A_42 = arith.constant 0 : index
    %swap3A_43 = vector.load %arg7[%swap3A_41, %swap3A_42] : memref<1280x16xf32, #tpu.memory_space<vmem>>, vector<1280x16xf32>
    tpu.vector_store %arg7[%swap3A_41, %swap3A_42], %dot_general3A_40 {strides = array<i32>} : memref<1280x16xf32, #tpu.memory_space<vmem>>, vector<1280x16xf32>,
    return
  }
  func.func @transform_0(%arg0: i32) -> (i32, i32, i32) {
    %c0_i32 = arith.constant 0 : i32
    %c0_i32_0 = arith.constant 0 : i32
    %c0_i32_1 = arith.constant 0 : i32
    return %c0_i32, %arg0, %c0_i32_0 : i32, i32, i32
  }
  func.func @transform_1(%arg0: i32) -> (i32, i32) {
    %c0_i32 = arith.constant 0 : i32
    %c0_i32_0 = arith.constant 0 : i32
    %c0_i32_1 = arith.constant 0 : i32
    return %c0_i32, %c0_i32_0 : i32, i32
  }
  func.func @transform_2(%arg0: i32) -> (i32, i32) {
    %c0_i32 = arith.constant 0 : i32
    %c0_i32_0 = arith.constant 0 : i32
    %c0_i32_1 = arith.constant 0 : i32
    return %c0_i32, %c0_i32_0 : i32, i32
  }
  func.func @transform_3(%arg0: i32) -> (i32, i32) {
    %c0_i32 = arith.constant 0 : i32
    %c0_i32_0 = arith.constant 0 : i32
    %c0_i32_1 = arith.constant 0 : i32
    return %c0_i32, %c0_i32_0 : i32, i32
  }
  func.func @transform_4(%arg0: i32) -> (i32, i32) {
    %c0_i32 = arith.constant 0 : i32
    %c0_i32_0 = arith.constant 0 : i32
    %c0_i32_1 = arith.constant 0 : i32
    return %c0_i32, %c0_i32_0 : i32, i32
  }
  func.func @transform_5(%arg0: i32) -> (i32, i32) {
    %c0_i32 = arith.constant 0 : i32
    %c0_i32_0 = arith.constant 0 : i32
    return %arg0, %c0_i32 : i32, i32
  }
  func.func @transform_6(%arg0: i32) -> (i32, i32) {
    %c0_i32 = arith.constant 0 : i32
    %c0_i32_0 = arith.constant 0 : i32
    return %arg0, %c0_i32 : i32, i32
  }
}

module attributes {stable_mosaic.version = 14 : i64} {
  func.func @_fin_body(%arg0: i32, %arg1: memref<2x2000x32xf32, #tpu.memory_space<vmem>>, %arg2: memref<1x16xf32, #tpu.memory_space<vmem>>, %arg3: memref<2000x16xf32, #tpu.memory_space<vmem>>) attributes {dimension_semantics = [#tpu.dimension_semantics<arbitrary>], iteration_bounds = array<i64: 5>, scalar_prefetch = 0 : i64, scratch_operands = 0 : i64, tpu.core_type = #tpu.core_type<tc>, window_params = [{transform_indices = @transform_0, window_bounds = array<i64: 2, 2000, 32>}, {pipeline_mode = #tpu.pipeline_mode<synchronous>, transform_indices = @transform_1, window_bounds = array<i64: 1, 16>}, {transform_indices = @transform_2, window_bounds = array<i64: 2000, 16>}]} {
    %get3A = arith.constant 0 : index
    %get3A_0 = arith.constant 0 : index
    %get3A_1 = arith.constant 0 : index
    %get3A_2 = vector.load %arg1[%get3A, %get3A_0, %get3A_1] : memref<2x2000x32xf32, #tpu.memory_space<vmem>>, vector<1x2000x32xf32>
    %get3A_3 = vector.shape_cast %get3A_2 : vector<1x2000x32xf32> to vector<2000x32xf32>
    %get3A_4 = arith.constant 1 : index
    %get3A_5 = arith.constant 0 : index
    %get3A_6 = arith.constant 0 : index
    %get3A_7 = vector.load %arg1[%get3A_4, %get3A_5, %get3A_6] : memref<2x2000x32xf32, #tpu.memory_space<vmem>>, vector<1x2000x32xf32>
    %get3A_8 = vector.shape_cast %get3A_7 : vector<1x2000x32xf32> to vector<2000x32xf32>
    %slice3A = vector.extract_strided_slice %get3A_3 {offsets = [0, 0], sizes = [2000, 16], strides = [1, 1]} : vector<2000x32xf32> to vector<2000x16xf32>
    %slice3A_9 = vector.extract_strided_slice %get3A_8 {offsets = [0, 0], sizes = [2000, 16], strides = [1, 1]} : vector<2000x32xf32> to vector<2000x16xf32>
    %add3A = arith.addf %slice3A, %slice3A_9 : vector<2000x16xf32>
    %slice3A_10 = vector.extract_strided_slice %get3A_3 {offsets = [0, 16], sizes = [2000, 1], strides = [1, 1]} : vector<2000x32xf32> to vector<2000x1xf32>
    %slice3A_11 = vector.extract_strided_slice %get3A_8 {offsets = [0, 16], sizes = [2000, 1], strides = [1, 1]} : vector<2000x32xf32> to vector<2000x1xf32>
    %add3A_12 = arith.addf %slice3A_10, %slice3A_11 : vector<2000x1xf32>
    %div3A = vector.broadcast %add3A_12 : vector<2000x1xf32> to vector<2000x16xf32>
    %div3A_13 = arith.divf %add3A, %div3A : vector<2000x16xf32>
    %get3A_14 = arith.constant 0 : index
    %get3A_15 = arith.constant 0 : index
    %get3A_16 = vector.load %arg2[%get3A_14, %get3A_15] : memref<1x16xf32, #tpu.memory_space<vmem>>, vector<1x16xf32>
    %get3A_17 = vector.shape_cast %get3A_16 : vector<1x16xf32> to vector<16xf32>
    %broadcast_in_dim3A = vector.shape_cast %get3A_17 : vector<16xf32> to vector<1x16xf32>
    %add3A_18 = vector.broadcast %broadcast_in_dim3A : vector<1x16xf32> to vector<2000x16xf32>
    %add3A_19 = arith.addf %div3A_13, %add3A_18 : vector<2000x16xf32>
    %swap3A = arith.constant 0 : index
    %swap3A_20 = arith.constant 0 : index
    %swap3A_21 = vector.load %arg3[%swap3A, %swap3A_20] : memref<2000x16xf32, #tpu.memory_space<vmem>>, vector<2000x16xf32>
    tpu.vector_store %arg3[%swap3A, %swap3A_20], %add3A_19 {strides = array<i32>} : memref<2000x16xf32, #tpu.memory_space<vmem>>, vector<2000x16xf32>,
    return
  }
  func.func @transform_0(%arg0: i32) -> (i32, i32, i32) {
    %c0_i32 = arith.constant 0 : i32
    %c0_i32_0 = arith.constant 0 : i32
    %c0_i32_1 = arith.constant 0 : i32
    return %c0_i32, %arg0, %c0_i32_0 : i32, i32, i32
  }
  func.func @transform_1(%arg0: i32) -> (i32, i32) {
    %c0_i32 = arith.constant 0 : i32
    %c0_i32_0 = arith.constant 0 : i32
    %c0_i32_1 = arith.constant 0 : i32
    return %c0_i32, %c0_i32_0 : i32, i32
  }
  func.func @transform_2(%arg0: i32) -> (i32, i32) {
    %c0_i32 = arith.constant 0 : i32
    %c0_i32_0 = arith.constant 0 : i32
    return %arg0, %c0_i32 : i32, i32
  }
}

</mosaic_0001>

<sc_bundles>
// kernel: kernel.10.cloned.1.call-start
scs
__scs_entry_jumppad:
0x0: {  	(pc) =	sbr.rel $0x88, $3  }
0x1: {  	(tag) =	ssettag $0x0;
	lr =	simm.s32 $0x1  }
0x2: {  	[smem:$0x3F97] =	sst lr;
	_ =	strace $0xD0000000  }
0x3: {  	_ = 	snop  }
0x4: {  	_ = 	snop  }
0x5: {  	_ = 	snop  }
0x6: {  	_ = 	snop  }
0x7: {  	_ = 	snop  }
__scs_overlays_trampoline_lowered:
0x8: {  	[smem:$0x3FA6] =	sst s0  }
0x9: {  	[smem:$0x3FA7] =	sst s1  }
0xa: {  	[smem:$0x3FA8] =	sst s2  }
0xb: {  	[smem:$0x3FA9] =	sst s3  }
0xc: {  	[smem:$0x3FAA] =	sst s4  }
0xd: {  	[smem:$0x3FAB] =	sst s5  }
0xe: {  	[smem:$0x3FAC] =	sst s6  }
0xf: {  	[smem:$0x3FAD] =	sst s7  }
0x10: {  	[smem:$0x3FAE] =	sst s8  }
0x11: {  	[smem:$0x3FAF] =	sst s9;
	s0 =	simm.s32 @!p0 $0x0  }
0x12: {  	s1 =	sld [smem:$0x3F95];
	s0 =	simm.s32 @p0 $0x1  }
0x13: {  	[smem:$0x3FB0] =	sst s0;
	s0 =	simm.s32 @!p1 $0x0  }
0x14: {  	s2 =	sld [smem:$0x3F94];
	s0 =	simm.s32 @p1 $0x1  }
0x15: {  	[smem:$0x3FB1] =	sst s0;
	s0 =	simm.s32 @!p2 $0x0  }
0x16: {  	s3 =	sld [smem:$0x3FDB];
	s0 =	simm.s32 @p2 $0x1  }
0x17: {  	s4 =	simm.s32 $0x1BF5;
	[smem:$0x3FB3] =	sst s0  }
0x18: {  	s0 =	sld [smem:$0x3F96];
	_ =	swait.ge [sflag:s4], $0x0  }
0x19: {  	s7 =	sld [smem:$0x3F97]  }
0x1a: {  	s8 =	sadd.s32 $0xFFFFE003, lr  }
0x1b: {  	s9 =	sadd.s32 $0xFFFFFEF7, lr;
	s5 =	simm.s32 $0xFFFFFFFF;
	p2 =	slt.u32 s8, $0xFFFFF086  }
0x1c: {  	p1 =	slt.u32 s9, $0xF7A;
	s5 =	simm.s32 @!p2 $0x0  }
0x1d: {  	s5 =	simm.s32 @p1 $0x1;
	p0 =	seq.s32 s7, s2  }
0x1e: {  	s7 =	smul.u32 @!p0 $0xF7A, s2;
	p2 =	seq.s32 @!p0 s5, $0x0  }
0x1f: {  	s9 =	smul.u32 $0xF7A, s1;
	s8 =	simm.s32 @!p0 $0x1BF5;
	p2 =	por !p2, p0  }
0x20: {  	[sflag:s8] =	ssyncset.s32 @!p0 $0xFFFFF086;
	s6 =	sadd.s32 @!p0 s3, s7;
	s7 =	simm.s32 @!p0 $0x108  }
0x21: {  	s3 =	sadd.s32 s3, s9;
	s6 =	sadd.s32 @!p0 $0x88, s6;
	s7 =	simm.s32 @p2 $0x1082  }
0x22: {  	[simem:s7], [sflag:s8] =	dma.local @!p0 [hbm:s6], $0xF7A  }
0x23: {  	s9 =	sor.u32 $0xD0000000, s2;
	s6 =	simm.s32 $0x108;
	_ =	swait.ge @!p0 [sflag:s8], $0x0  }
0x24: {  	s3 =	sadd.s32 $0x88, s3;
	s6 =	simm.s32 @!p1 $0x1082;
	[sflag:s4] =	ssyncset.s32 $0xFFFFF086  }
0x25: {  	[simem:s6], [sflag:s4] =	dma.local [hbm:s3], $0xF7A  }
0x26: {  	[smem:$0x3F97] =	sst s1;
	(tag) =	ssettag s2;
	_ =	strace s9  }
0x27: {  	s1 =	sld [smem:$0x3FA7]  }
0x28: {  	s2 =	sld [smem:$0x3FA8]  }
0x29: {  	s4 =	sld [smem:$0x3FAA]  }
0x2a: {  	p0 =	seq.s32 s5, $0x0;
	s5 =	sld [smem:$0x3FAB]  }
0x2b: {  	s6 =	sld [smem:$0x3FAC]  }
0x2c: {  	s7 =	sld [smem:$0x3FAD]  }
0x2d: {  	s3 =	simm.s32 $0x108;
	s8 =	sld [smem:$0x3FAE]  }
0x2e: {  	s3 =	simm.s32 @!p0 $0x1082;
	s9 =	sld [smem:$0x3FAF]  }
0x2f: {  	lr =	sadd.s32 s0, s3;
	s0 =	sld [smem:$0x3FA6]  }
0x30: {  	s3 =	sld [smem:$0x3FA9]  }
0x31: {  	[smem:$0x3FB2] =	sst s10  }
0x32: {  	s10 =	sld [smem:$0x3FB0];
	_ =	sdelay $0x3  }
0x33: {  	p0 =	seq.s32 s10, $0x1;
	s10 =	sld [smem:$0x3FB2];
	_ =	sdelay $0x3  }
0x34: {  	[smem:$0x3FB2] =	sst s10  }
0x35: {  	s10 =	sld [smem:$0x3FB1];
	_ =	sdelay $0x3  }
0x36: {  	p1 =	seq.s32 s10, $0x1;
	s10 =	sld [smem:$0x3FB2];
	_ =	sdelay $0x3  }
0x37: {  	[smem:$0x3FB2] =	sst s10  }
0x38: {  	s10 =	sld [smem:$0x3FB3]  }
0x39: {  	_ = 	snop;
	(pc) =	sbr.ind lr, $3  }
0x3a: {  	_ = 	snop  }
0x3b: {  	_ = 	snop  }
0x3c: {  	p2 =	seq.s32 s10, $0x1;
	s10 =	sld [smem:$0x3FB2]  }
0x3d: {  	_ =	shalt  }
0x3e: {  	_ =	shalt  }
0x3f: {  	_ =	shalt  }
0x40: {  	_ =	shalt  }
0x41: {  	_ =	shalt  }
0x42: {  	_ =	shalt  }
0x43: {  	_ =	shalt  }
0x44: {  	_ =	shalt  }
0x45: {  	_ =	shalt  }
0x46: {  	_ =	shalt  }
0x47: {  	_ =	shalt  }
0x48: {  	_ =	shalt  }
0x49: {  	_ =	shalt  }
0x4a: {  	_ =	shalt  }
0x4b: {  	_ =	shalt  }
0x4c: {  	_ =	shalt  }
0x4d: {  	_ =	shalt  }
0x4e: {  	_ =	shalt  }
0x4f: {  	_ =	shalt  }
0x50: {  	_ =	shalt  }
0x51: {  	_ =	shalt  }
0x52: {  	_ =	shalt  }
0x53: {  	_ =	shalt  }
0x54: {  	_ =	shalt  }
0x55: {  	_ =	shalt  }
0x56: {  	_ =	shalt  }
0x57: {  	_ =	shalt  }
0x58: {  	_ =	shalt  }
0x59: {  	_ =	shalt  }
0x5a: {  	_ =	shalt  }
0x5b: {  	_ =	shalt  }
0x5c: {  	_ =	shalt  }
0x5d: {  	_ =	shalt  }
0x5e: {  	_ =	shalt  }
0x5f: {  	_ =	shalt  }
0x60: {  	_ =	shalt  }
0x61: {  	_ =	shalt  }
0x62: {  	_ =	shalt  }
0x63: {  	_ =	shalt  }
0x64: {  	_ =	shalt  }
0x65: {  	_ =	shalt  }
0x66: {  	_ =	shalt  }
0x67: {  	_ =	shalt  }
0x68: {  	_ =	shalt  }
0x69: {  	_ =	shalt  }
0x6a: {  	_ =	shalt  }
0x6b: {  	_ =	shalt  }
0x6c: {  	_ =	shalt  }
0x6d: {  	_ =	shalt  }
0x6e: {  	_ =	shalt  }
0x6f: {  	_ =	shalt  }
0x70: {  	_ =	shalt  }
0x71: {  	_ =	shalt  }
0x72: {  	_ =	shalt  }
0x73: {  	_ =	shalt  }
0x74: {  	_ =	shalt  }
0x75: {  	_ =	shalt  }
0x76: {  	_ =	shalt  }
0x77: {  	_ =	shalt  }
0x78: {  	_ =	shalt  }
0x79: {  	_ =	shalt  }
0x7a: {  	_ =	shalt  }
0x7b: {  	_ =	shalt  }
0x7c: {  	_ =	shalt  }
0x7d: {  	_ =	shalt  }
0x7e: {  	_ =	shalt  }
0x7f: {  	_ =	shalt  }
0x80: {  	_ =	shalt  }
0x81: {  	_ =	shalt  }
0x82: {  	_ =	shalt  }
0x83: {  	_ =	shalt  }
0x84: {  	_ =	shalt  }
0x85: {  	_ =	shalt  }
0x86: {  	_ =	shalt  }
0x87: {  	_ =	shalt  }
.Lfunc_end0:
.L_simem_size_0:
called_computation.1_lowered:
.L_overlay_start_0:
0x88: {  	s2 =	sld [smem:$0x3FD9]  }
0x89: {  	s3 =	sld [smem:$0x3FFE];
	_ =	sdelay $0x1  }
0x8a: {  	s1 =	srdreg.scid  }
0x8b: {  	s0 =	sand.u32 $0x1, s1  }
0x8c: {  	s17 =	sshll.u32 s0, $0xA;
	s2 =	sadd.s32 s3, s2  }
0x8d: {  	s2 =	sadd.s32 s2, s17  }
0x8e: {  	[smem:$0x3FBE] =	sst s2  }
0x8f: {  	_ = 	snop  }
0x90: {  	s2 =	sld [smem:$0x3FD0];
	(tm) =	ssettm $0x1  }
0x91: {  	s18 =	sld [smem:$0x3FFB];
	_ =	sdelay $0x3  }
0x92: {  	_ =	strace s18  }
0x93: {  	s3 =	sld [smem:$0x3FFC];
	_ =	sdelay $0x3  }
0x94: {  	_ =	strace s3  }
0x95: {  	s3 =	sld [smem:$0x3FFD];
	_ =	sdelay $0x3  }
0x96: {  	_ =	strace s3  }
0x97: {  	_ =	strace $0x8FFFFFFF  }
0x98: {  	s19 =	sld [smem:$0x3FDB];
	_ =	sdelay $0x1  }
0x99: {  	s4 =	simm.s32 $_scs_section_size  }
0x9a: {  	s5 =	simm.s32 $_size__tile_overlayer_lowered;
	s6 =	simm.s32 $_tile_overlayer_lowered  }
0x9b: {  	s22 =	simm.s32 $0x1BFF;
	s21 =	sshll.u32 s6, $0x1;
	s3 =	sadd.s32 s4, s19  }
0x9c: {  	s7 =	simm.s32 $0x0;
	s20 =	sshll.u32 s5, $0x1;
	s5 =	sadd.s32 s21, s3  }
0x9d: {  	[timem:s7], [sflag:s22] =	dma.local [hbm:s5], s20  }
0x9e: {  	_ =	swait.ge [sflag:s22], s20  }
0x9f: {  	s4 =	ssub.s32 $0x0, s20;
	[sflag:s22] =	ssyncset.done $0x0  }
0xa0: {  	[sflag:s22] =	ssyncadd.s32 s4;
	_ =	sdelay $0x1  }
0xa1: {  	s23 =	simm.s32 $0x1B8B  }
0xa2: {  	_ =	swait.ge [sflag:s23], $0x1  }
0xa3: {  	[sflag:s23] =	ssyncset.done $0x0  }
0xa4: {  	s25 =	simm.s32 $0x1B8E;
	s24 =	sld [smem:$0x3FFE];
	[sflag:s23] =	ssyncadd.s32 $0xFFFFFFFF  }
0xa5: {  	s26 =	simm.s32 $execute0_lowered;
	[smem:$0x3FD2] =	sst s25  }
0xa6: {  	s5 =	sshll.u32 s26, $0x1;
	_ =	strace $0x80000049;
	[dreg:$0x1] =	wrdreg $0xFFFFFFFF  }
0xa7: {  	s28 =	simm.s32 $_size_execute0_lowered;
	s3 =	sadd.s32 s3, s5;
	[dreg:$0x0] =	wrdreg $0x0  }
0xa8: {  	s5 =	sshll.u32 s28, $0x1;
	[dreg:$0x2] =	wrdreg s3  }
0xa9: {  	[dreg:$0x3] =	wrdreg s5  }
0xaa: {  	[dreg:$0x4] =	wrdreg $0xC0  }
0xab: {  	_ =	task [dreg:s7], $0x5FFFF  }
0xac: {  	[dreg:$0x1] =	wrdreg $0xFFFFFFFF  }
0xad: {  	[dreg:$0x0] =	wrdreg $0x60  }
0xae: {  	[dreg:$0x2] =	wrdreg s24  }
0xaf: {  	[dreg:$0x3] =	wrdreg s2  }
0xb0: {  	[dreg:$0x4] =	wrdreg $0x0  }
0xb1: {  	[dreg:$0x5] =	wrdreg $0x9  }
0xb2: {  	_ =	task.clear_ibuf [dreg:s7], $0x6FFFF;
	_ =	strace $0x90000049  }
0xb3: {  	s29 =	simm.s32 $0x9;
	_ =	strace $0x8000004B  }
0xb4: {  	_ =	swait.ge [sflag:s29], $0x1  }
0xb5: {  	[sflag:s29] =	ssyncadd.s32 $0xFFFFFFFF  }
0xb6: {  	_ =	strace $0x9000004B  }
0xb7: {  	_ =	sfence  }
0xb8: {  	s30 =	sld [smem:$0x0];
	_ =	sdelay $0x2  }
0xb9: {  	s31 =	sshll.u32 s1, $0xD;
	s1 =	sshrl.u32 s1, $0x2  }
0xba: {  	s3 =	sand.u32 $0x4000, s31;
	s1 =	sadd.s32 s1, s30  }
0xbb: {  	s0 =	sor.u32 s3, s0;
	s1 =	sshll.u32 s1, $0x11  }
0xbc: {  	s0 =	sor.u32 s1, s0  }
0xbd: {  	s0 =	sadd.s32 $0x8F2B, s0  }
0xbe: {  	[sflag:s0] =	ssyncadd.remote.s32 $0x1  }
0xbf: {  	_ =	sfence.sel $0xFFFF  }
0xc0: {  	[dreg:$0x0] =	wrdreg $0xFFFFFFFF;
	(pc) =	sbr.abs _section_cstart, $3  }
0xc1: {  	[dreg:$0x1] =	wrdreg $0xFFFFFFFF  }
0xc2: {  	_ =	task.clear_ibuf [dreg:s7], $0x2FFFF;
	_ =	strace $0x9FFFFFFF  }
0xc3: {  	(tm) =	ssettm $0x7FFFFFFF  }
tec
execute0_lowered:
.L_overlay_start_1:
0x0: {  	(tag) =	ssettag $0x1  }
0x1: {  	s9 =	rddreg [dreg:$0x0]  }
0x2: {  	s2 =	rddreg [dreg:$0x1]  }
0x3: {  	s4 =	rddreg [dreg:$0x2]  }
0x4: {  	s0 =	rddreg [dreg:$0x3]  }
0x5: {  	s5 =	srdreg.scid;
	s3 =	simm.s32 $0x0;
	s1 =	stileid.u32  }
0x6: {  	s10 =	sand.u32 $0x1, s5;
	[smem:$0x7FF] =	sst s3;
	s11 =	smul.u32 $0x5000, s1  }
0x7: {  	s30 =	sshll.u32 s1, $0x6;
	s5 =	sshll.u32 s10, $0x4;
	_ =	strace $0x8000004A  }
0x8: {  	s5 =	sor.u32 s1, s5;
	s29 =	sadd.s32 s11, s4;
	s4 =	sor.u32 $0x1C01, s30  }
0x9: {  	s7 =	smul.u32 $0xA40, s5;
	s6 =	sshrl.u32 s29, $0x3;
	s5 =	simm.s32 $0x1  }
0xa: {  	[spmem:s6], [sflag:s4] =	dma.local [hbm:s2], $0xA00  }
0xb: {  	s8 =	simm.s32 $0x5000;
	s12 =	smul.u32 $0x50000, s10;
	_ =	swait.ge [sflag:s5], $0xA00  }
0xc: {  	s10 =	ssub.s32 $0x2, s10;
	s7 =	sadd.s32 s7, s9;
	[sflag:s5] =	ssyncset.done $0x0  }
0xd: {  	s31 =	sshrl.u32 s10, $0x1;
	s7 =	sadd.s32 $0x1F200, s7;
	[sflag:s5] =	ssyncadd.s32 $0xFFFFF600  }
0xe: {  	[tilespmem:s8], [sflag:$0x1] =	stream.linear.gather [hbm4b:s7+s3], $0x5200, $0x38;
	[tilespmem:$0xA200] =	vst v63  }
0xf: {  	s10 =	ssub.s32 s10, s31;
	_ =	swait.ge [sflag:s5], $0x5200  }
0x10: {  	s11 =	sadd.s32 s11, s12;
	s10 =	smax.u32 s10, $0x1;
	[sflag:s5] =	ssyncset.done $0x0  }
0x11: {  	s11 =	sshrl.u32 s11, $0x3;
	p0 =	sne.s32 s10, $0x1;
	[sflag:s5] =	ssyncadd.s32 $0xFFFFAE00  }
.Ltmp0:
0x12: {  	s9 =	sadd.s32 s11, s9;
	[bflag:$0x0] =	sbarrier.arrive $0xFFFF;
	(pc) =	sbr.rel @!p0 .LBB2_2-.Ltmp0, $4  }
0x13: {  	s9 =	sadd.s32 $0x33A00, s9;
	[bflag:$0x0] =	sbarrier.arrive $0xFFFF  }
0x14: {  	[hbm:s9], [sflag:s4] =	dma.local [spmem:s6], $0xA00  }
0x15: {  	_ =	swait.ge [sflag:s5], $0xA00  }
0x16: {  	s10 =	sadd.s32 $0xFFFFFFFF, s10;
	[sflag:s5] =	ssyncset.done $0x0  }
.LBB2_1:
0x17: {  	p0 =	sne.s32 s10, $0x1;
	s10 =	sadd.s32 $0xFFFFFFFF, s10;
	[sflag:s5] =	ssyncadd.s32 $0xFFFFF600  }
0x18: {  	[spmem:s6], [sflag:s4] =	dma.local [hbm:s2], $0xA00  }
0x19: {  	_ =	swait.ge [sflag:s5], $0xA00  }
0x1a: {  	[sflag:s5] =	ssyncset.done $0x0  }
0x1b: {  	[sflag:s5] =	ssyncadd.s32 $0xFFFFF600  }
0x1c: {  	[tilespmem:s8], [sflag:$0x1] =	stream.linear.gather [hbm4b:s7+s3], $0x5200, $0x38;
	[tilespmem:$0xA200] =	vst v63  }
0x1d: {  	_ =	swait.ge [sflag:s5], $0x5200  }
0x1e: {  	[sflag:s5] =	ssyncset.done $0x0  }
0x1f: {  	[sflag:s5] =	ssyncadd.s32 $0xFFFFAE00  }
.Ltmp1:
0x20: {  	[bflag:$0x0] =	sbarrier.arrive $0xFFFF;
	(pc) =	sbr.rel @p0 .LBB2_1-.Ltmp1, $4  }
0x21: {  	[bflag:$0x0] =	sbarrier.arrive $0xFFFF  }
0x22: {  	[hbm:s9], [sflag:s4] =	dma.local [spmem:s6], $0xA00  }
0x23: {  	_ =	swait.ge [sflag:s5], $0xA00  }
0x24: {  	[sflag:s5] =	ssyncset.done $0x0  }
.LBB2_2:
0x25: {  	[sflag:s5] =	ssyncadd.s32 $0xFFFFF600  }
0x26: {  	_ =	sfence.sel $0x180000  }
0x27: {  	[bflag:$0x0] =	sbarrier.arrive $0xFFFF  }
0x28: {  	p0 =	sne.s32 s1, $0x0;
	_ =	strace $0x9000004A  }
0x29: {  	s0 =	sadd.s32 @!p0 $0x100000, s0;
	[bflag:$0x2] =	sbarrier.arrive $0xFFFF  }
0x2a: {  	[sflag:s0] =	ssyncadd.tile.s32 @!p0 $0x1;
	_ =	shalt  }
.Lfunc_end2:
_tile_overlayer_lowered:
.L_overlay_start_2:
0x2b: {  	(tag) =	ssettag $0x2  }
0x2c: {  	s0 =	rddreg [dreg:$0x0];
	s2 =	stileid.u32  }
0x2d: {  	s1 =	rddreg [dreg:$0x1];
	p0 =	sne.s32 s2, $0x0  }
0x2e: {  	s3 =	rddreg [dreg:$0x2];
	[bflag:$0x3] =	sbarrier.arrive $0xFFFF;
	s2 =	simm.s32 @!p0 $0x1C01  }
0x2f: {  	[timem:s3], [sflag:s2] =	dma.local @!p0 [hbm:s0], s1  }
0x30: {  	s0 =	simm.s32 @!p0 $0x1  }
0x31: {  	_ =	swait.ge @!p0 [sflag:s0], s1  }
0x32: {  	s1 =	ssub.s32 @!p0 $0x0, s1;
	[sflag:s0] =	ssyncset.done @!p0 $0x0  }
0x33: {  	[sflag:s0] =	ssyncadd.s32 @!p0 s1  }
0x34: {  	[bflag:$0x3] =	sbarrier.arrive $0xFFFF  }
0x35: {  	_ =	shalt  }

// kernel: kernel.7.cloned.1.call-start
scs
__scs_entry_jumppad:
0x0: {  	(pc) =	sbr.rel $0x88, $3  }
0x1: {  	(tag) =	ssettag $0x0;
	lr =	simm.s32 $0x1  }
0x2: {  	[smem:$0x3F97] =	sst lr;
	_ =	strace $0xD0000000  }
0x3: {  	_ = 	snop  }
0x4: {  	_ = 	snop  }
0x5: {  	_ = 	snop  }
0x6: {  	_ = 	snop  }
0x7: {  	_ = 	snop  }
__scs_overlays_trampoline_lowered:
0x8: {  	[smem:$0x3FA6] =	sst s0  }
0x9: {  	[smem:$0x3FA7] =	sst s1  }
0xa: {  	[smem:$0x3FA8] =	sst s2  }
0xb: {  	[smem:$0x3FA9] =	sst s3  }
0xc: {  	[smem:$0x3FAA] =	sst s4  }
0xd: {  	[smem:$0x3FAB] =	sst s5  }
0xe: {  	[smem:$0x3FAC] =	sst s6  }
0xf: {  	[smem:$0x3FAD] =	sst s7  }
0x10: {  	[smem:$0x3FAE] =	sst s8  }
0x11: {  	[smem:$0x3FAF] =	sst s9;
	s0 =	simm.s32 @!p0 $0x0  }
0x12: {  	s1 =	sld [smem:$0x3F95];
	s0 =	simm.s32 @p0 $0x1  }
0x13: {  	[smem:$0x3FB0] =	sst s0;
	s0 =	simm.s32 @!p1 $0x0  }
0x14: {  	s2 =	sld [smem:$0x3F94];
	s0 =	simm.s32 @p1 $0x1  }
0x15: {  	[smem:$0x3FB1] =	sst s0;
	s0 =	simm.s32 @!p2 $0x0  }
0x16: {  	s3 =	sld [smem:$0x3FDB];
	s0 =	simm.s32 @p2 $0x1  }
0x17: {  	s4 =	simm.s32 $0x1BF5;
	[smem:$0x3FB3] =	sst s0  }
0x18: {  	s0 =	sld [smem:$0x3F96];
	_ =	swait.ge [sflag:s4], $0x0  }
0x19: {  	s7 =	sld [smem:$0x3F97]  }
0x1a: {  	s8 =	sadd.s32 $0xFFFFE003, lr  }
0x1b: {  	s9 =	sadd.s32 $0xFFFFFEF7, lr;
	s5 =	simm.s32 $0xFFFFFFFF;
	p2 =	slt.u32 s8, $0xFFFFF086  }
0x1c: {  	p1 =	slt.u32 s9, $0xF7A;
	s5 =	simm.s32 @!p2 $0x0  }
0x1d: {  	s5 =	simm.s32 @p1 $0x1;
	p0 =	seq.s32 s7, s2  }
0x1e: {  	s7 =	smul.u32 @!p0 $0xF7A, s2;
	p2 =	seq.s32 @!p0 s5, $0x0  }
0x1f: {  	s9 =	smul.u32 $0xF7A, s1;
	s8 =	simm.s32 @!p0 $0x1BF5;
	p2 =	por !p2, p0  }
0x20: {  	[sflag:s8] =	ssyncset.s32 @!p0 $0xFFFFF086;
	s6 =	sadd.s32 @!p0 s3, s7;
	s7 =	simm.s32 @!p0 $0x108  }
0x21: {  	s3 =	sadd.s32 s3, s9;
	s6 =	sadd.s32 @!p0 $0x88, s6;
	s7 =	simm.s32 @p2 $0x1082  }
0x22: {  	[simem:s7], [sflag:s8] =	dma.local @!p0 [hbm:s6], $0xF7A  }
0x23: {  	s9 =	sor.u32 $0xD0000000, s2;
	s6 =	simm.s32 $0x108;
	_ =	swait.ge @!p0 [sflag:s8], $0x0  }
0x24: {  	s3 =	sadd.s32 $0x88, s3;
	s6 =	simm.s32 @!p1 $0x1082;
	[sflag:s4] =	ssyncset.s32 $0xFFFFF086  }
0x25: {  	[simem:s6], [sflag:s4] =	dma.local [hbm:s3], $0xF7A  }
0x26: {  	[smem:$0x3F97] =	sst s1;
	(tag) =	ssettag s2;
	_ =	strace s9  }
0x27: {  	s1 =	sld [smem:$0x3FA7]  }
0x28: {  	s2 =	sld [smem:$0x3FA8]  }
0x29: {  	s4 =	sld [smem:$0x3FAA]  }
0x2a: {  	p0 =	seq.s32 s5, $0x0;
	s5 =	sld [smem:$0x3FAB]  }
0x2b: {  	s6 =	sld [smem:$0x3FAC]  }
0x2c: {  	s7 =	sld [smem:$0x3FAD]  }
0x2d: {  	s3 =	simm.s32 $0x108;
	s8 =	sld [smem:$0x3FAE]  }
0x2e: {  	s3 =	simm.s32 @!p0 $0x1082;
	s9 =	sld [smem:$0x3FAF]  }
0x2f: {  	lr =	sadd.s32 s0, s3;
	s0 =	sld [smem:$0x3FA6]  }
0x30: {  	s3 =	sld [smem:$0x3FA9]  }
0x31: {  	[smem:$0x3FB2] =	sst s10  }
0x32: {  	s10 =	sld [smem:$0x3FB0];
	_ =	sdelay $0x3  }
0x33: {  	p0 =	seq.s32 s10, $0x1;
	s10 =	sld [smem:$0x3FB2];
	_ =	sdelay $0x3  }
0x34: {  	[smem:$0x3FB2] =	sst s10  }
0x35: {  	s10 =	sld [smem:$0x3FB1];
	_ =	sdelay $0x3  }
0x36: {  	p1 =	seq.s32 s10, $0x1;
	s10 =	sld [smem:$0x3FB2];
	_ =	sdelay $0x3  }
0x37: {  	[smem:$0x3FB2] =	sst s10  }
0x38: {  	s10 =	sld [smem:$0x3FB3]  }
0x39: {  	_ = 	snop;
	(pc) =	sbr.ind lr, $3  }
0x3a: {  	_ = 	snop  }
0x3b: {  	_ = 	snop  }
0x3c: {  	p2 =	seq.s32 s10, $0x1;
	s10 =	sld [smem:$0x3FB2]  }
0x3d: {  	_ =	shalt  }
0x3e: {  	_ =	shalt  }
0x3f: {  	_ =	shalt  }
0x40: {  	_ =	shalt  }
0x41: {  	_ =	shalt  }
0x42: {  	_ =	shalt  }
0x43: {  	_ =	shalt  }
0x44: {  	_ =	shalt  }
0x45: {  	_ =	shalt  }
0x46: {  	_ =	shalt  }
0x47: {  	_ =	shalt  }
0x48: {  	_ =	shalt  }
0x49: {  	_ =	shalt  }
0x4a: {  	_ =	shalt  }
0x4b: {  	_ =	shalt  }
0x4c: {  	_ =	shalt  }
0x4d: {  	_ =	shalt  }
0x4e: {  	_ =	shalt  }
0x4f: {  	_ =	shalt  }
0x50: {  	_ =	shalt  }
0x51: {  	_ =	shalt  }
0x52: {  	_ =	shalt  }
0x53: {  	_ =	shalt  }
0x54: {  	_ =	shalt  }
0x55: {  	_ =	shalt  }
0x56: {  	_ =	shalt  }
0x57: {  	_ =	shalt  }
0x58: {  	_ =	shalt  }
0x59: {  	_ =	shalt  }
0x5a: {  	_ =	shalt  }
0x5b: {  	_ =	shalt  }
0x5c: {  	_ =	shalt  }
0x5d: {  	_ =	shalt  }
0x5e: {  	_ =	shalt  }
0x5f: {  	_ =	shalt  }
0x60: {  	_ =	shalt  }
0x61: {  	_ =	shalt  }
0x62: {  	_ =	shalt  }
0x63: {  	_ =	shalt  }
0x64: {  	_ =	shalt  }
0x65: {  	_ =	shalt  }
0x66: {  	_ =	shalt  }
0x67: {  	_ =	shalt  }
0x68: {  	_ =	shalt  }
0x69: {  	_ =	shalt  }
0x6a: {  	_ =	shalt  }
0x6b: {  	_ =	shalt  }
0x6c: {  	_ =	shalt  }
0x6d: {  	_ =	shalt  }
0x6e: {  	_ =	shalt  }
0x6f: {  	_ =	shalt  }
0x70: {  	_ =	shalt  }
0x71: {  	_ =	shalt  }
0x72: {  	_ =	shalt  }
0x73: {  	_ =	shalt  }
0x74: {  	_ =	shalt  }
0x75: {  	_ =	shalt  }
0x76: {  	_ =	shalt  }
0x77: {  	_ =	shalt  }
0x78: {  	_ =	shalt  }
0x79: {  	_ =	shalt  }
0x7a: {  	_ =	shalt  }
0x7b: {  	_ =	shalt  }
0x7c: {  	_ =	shalt  }
0x7d: {  	_ =	shalt  }
0x7e: {  	_ =	shalt  }
0x7f: {  	_ =	shalt  }
0x80: {  	_ =	shalt  }
0x81: {  	_ =	shalt  }
0x82: {  	_ =	shalt  }
0x83: {  	_ =	shalt  }
0x84: {  	_ =	shalt  }
0x85: {  	_ =	shalt  }
0x86: {  	_ =	shalt  }
0x87: {  	_ =	shalt  }
.Lfunc_end0:
.L_simem_size_0:
called_computation_lowered:
.L_overlay_start_0:
0x88: {  	s2 =	sld [smem:$0x3FD9]  }
0x89: {  	s3 =	sld [smem:$0x3FFE];
	_ =	sdelay $0x1  }
0x8a: {  	s1 =	srdreg.scid  }
0x8b: {  	s0 =	sand.u32 $0x1, s1  }
0x8c: {  	s17 =	sshll.u32 s0, $0xA;
	s2 =	sadd.s32 s3, s2  }
0x8d: {  	s2 =	sadd.s32 s2, s17  }
0x8e: {  	[smem:$0x3FBE] =	sst s2  }
0x8f: {  	_ = 	snop  }
0x90: {  	s2 =	sld [smem:$0x3FD0];
	(tm) =	ssettm $0x1  }
0x91: {  	s18 =	sld [smem:$0x3FFB];
	_ =	sdelay $0x3  }
0x92: {  	_ =	strace s18  }
0x93: {  	s3 =	sld [smem:$0x3FFC];
	_ =	sdelay $0x3  }
0x94: {  	_ =	strace s3  }
0x95: {  	s3 =	sld [smem:$0x3FFD];
	_ =	sdelay $0x3  }
0x96: {  	_ =	strace s3  }
0x97: {  	_ =	strace $0x8FFFFFFF  }
0x98: {  	s19 =	sld [smem:$0x3FDB];
	_ =	sdelay $0x1  }
0x99: {  	s4 =	simm.s32 $_scs_section_size  }
0x9a: {  	s5 =	simm.s32 $_size__tile_overlayer_lowered;
	s6 =	simm.s32 $_tile_overlayer_lowered  }
0x9b: {  	s22 =	simm.s32 $0x1BFF;
	s21 =	sshll.u32 s6, $0x1;
	s3 =	sadd.s32 s4, s19  }
0x9c: {  	s7 =	simm.s32 $0x0;
	s20 =	sshll.u32 s5, $0x1;
	s5 =	sadd.s32 s21, s3  }
0x9d: {  	[timem:s7], [sflag:s22] =	dma.local [hbm:s5], s20  }
0x9e: {  	_ =	swait.ge [sflag:s22], s20  }
0x9f: {  	s4 =	ssub.s32 $0x0, s20;
	[sflag:s22] =	ssyncset.done $0x0  }
0xa0: {  	[sflag:s22] =	ssyncadd.s32 s4;
	_ =	sdelay $0x1  }
0xa1: {  	s23 =	simm.s32 $0x1B8B  }
0xa2: {  	_ =	swait.ge [sflag:s23], $0x1  }
0xa3: {  	[sflag:s23] =	ssyncset.done $0x0  }
0xa4: {  	s25 =	simm.s32 $0x1B8E;
	s24 =	sld [smem:$0x3FFE];
	[sflag:s23] =	ssyncadd.s32 $0xFFFFFFFF  }
0xa5: {  	s26 =	simm.s32 $execute0_lowered;
	[smem:$0x3FD2] =	sst s25  }
0xa6: {  	s5 =	sshll.u32 s26, $0x1;
	_ =	strace $0x80000046;
	[dreg:$0x1] =	wrdreg $0xFFFFFFFF  }
0xa7: {  	s28 =	simm.s32 $_size_execute0_lowered;
	s3 =	sadd.s32 s3, s5;
	[dreg:$0x0] =	wrdreg $0x0  }
0xa8: {  	s5 =	sshll.u32 s28, $0x1;
	[dreg:$0x2] =	wrdreg s3  }
0xa9: {  	[dreg:$0x3] =	wrdreg s5  }
0xaa: {  	[dreg:$0x4] =	wrdreg $0xC0  }
0xab: {  	_ =	task [dreg:s7], $0x5FFFF  }
0xac: {  	[dreg:$0x1] =	wrdreg $0xFFFFFFFF  }
0xad: {  	[dreg:$0x0] =	wrdreg $0x60  }
0xae: {  	[dreg:$0x2] =	wrdreg s24  }
0xaf: {  	[dreg:$0x3] =	wrdreg s2  }
0xb0: {  	[dreg:$0x4] =	wrdreg $0x0  }
0xb1: {  	[dreg:$0x5] =	wrdreg $0x9  }
0xb2: {  	_ =	task.clear_ibuf [dreg:s7], $0x6FFFF;
	_ =	strace $0x90000046  }
0xb3: {  	s29 =	simm.s32 $0x9;
	_ =	strace $0x80000048  }
0xb4: {  	_ =	swait.ge [sflag:s29], $0x1  }
0xb5: {  	[sflag:s29] =	ssyncadd.s32 $0xFFFFFFFF  }
0xb6: {  	_ =	strace $0x90000048  }
0xb7: {  	_ =	sfence  }
0xb8: {  	s30 =	sld [smem:$0x0];
	_ =	sdelay $0x2  }
0xb9: {  	s31 =	sshll.u32 s1, $0xD;
	s1 =	sshrl.u32 s1, $0x2  }
0xba: {  	s3 =	sand.u32 $0x4000, s31;
	s1 =	sadd.s32 s1, s30  }
0xbb: {  	s0 =	sor.u32 s3, s0;
	s1 =	sshll.u32 s1, $0x11  }
0xbc: {  	s0 =	sor.u32 s1, s0  }
0xbd: {  	s0 =	sadd.s32 $0x8F2B, s0  }
0xbe: {  	[sflag:s0] =	ssyncadd.remote.s32 $0x1  }
0xbf: {  	_ =	sfence.sel $0xFFFF  }
0xc0: {  	[dreg:$0x0] =	wrdreg $0xFFFFFFFF;
	(pc) =	sbr.abs _section_cstart, $3  }
0xc1: {  	[dreg:$0x1] =	wrdreg $0xFFFFFFFF  }
0xc2: {  	_ =	task.clear_ibuf [dreg:s7], $0x2FFFF;
	_ =	strace $0x9FFFFFFF  }
0xc3: {  	(tm) =	ssettm $0x7FFFFFFF  }
tec
execute0_lowered:
.L_overlay_start_1:
0x0: {  	(tag) =	ssettag $0x1  }
0x1: {  	s9 =	rddreg [dreg:$0x0]  }
0x2: {  	s2 =	rddreg [dreg:$0x1]  }
0x3: {  	s4 =	rddreg [dreg:$0x2]  }
0x4: {  	s0 =	rddreg [dreg:$0x3]  }
0x5: {  	s5 =	srdreg.scid;
	s3 =	simm.s32 $0x0;
	s1 =	stileid.u32  }
0x6: {  	s10 =	sand.u32 $0x1, s5;
	[smem:$0x7FF] =	sst s3;
	s11 =	smul.u32 $0xC800, s1  }
0x7: {  	s30 =	sshll.u32 s1, $0x6;
	s5 =	sshll.u32 s10, $0x4;
	_ =	strace $0x80000047  }
0x8: {  	s5 =	sor.u32 s1, s5;
	s29 =	sadd.s32 s11, s4;
	s4 =	sor.u32 $0x1C01, s30  }
0x9: {  	s7 =	smul.u32 $0xA40, s5;
	s6 =	sshrl.u32 s29, $0x3;
	s5 =	simm.s32 $0x1  }
0xa: {  	[spmem:s6], [sflag:s4] =	dma.local [hbm:s2], $0x1900  }
0xb: {  	s8 =	simm.s32 $0xC800;
	s12 =	smul.u32 $0xC8000, s10;
	_ =	swait.ge [sflag:s5], $0x1900  }
0xc: {  	s10 =	ssub.s32 $0x2, s10;
	s7 =	sadd.s32 s7, s9;
	[sflag:s5] =	ssyncset.done $0x0  }
0xd: {  	s31 =	sshrl.u32 s10, $0x1;
	s7 =	sadd.s32 $0x1F200, s7;
	[sflag:s5] =	ssyncadd.s32 $0xFFFFE700  }
0xe: {  	[tilespmem:s8], [sflag:$0x1] =	stream.linear.gather [hbm4b:s7+s3], $0x5200, $0x38;
	[tilespmem:$0x11A00] =	vst v63  }
0xf: {  	s10 =	ssub.s32 s10, s31;
	_ =	swait.ge [sflag:s5], $0x5200  }
0x10: {  	s11 =	sadd.s32 s11, s12;
	s10 =	smax.u32 s10, $0x1;
	[sflag:s5] =	ssyncset.done $0x0  }
0x11: {  	s11 =	sshrl.u32 s11, $0x3;
	p0 =	sne.s32 s10, $0x1;
	[sflag:s5] =	ssyncadd.s32 $0xFFFFAE00  }
.Ltmp0:
0x12: {  	s9 =	sadd.s32 s11, s9;
	[bflag:$0x0] =	sbarrier.arrive $0xFFFF;
	(pc) =	sbr.rel @!p0 .LBB2_2-.Ltmp0, $4  }
0x13: {  	s9 =	sadd.s32 $0x33A00, s9;
	[bflag:$0x0] =	sbarrier.arrive $0xFFFF  }
0x14: {  	[hbm:s9], [sflag:s4] =	dma.local [spmem:s6], $0x1900  }
0x15: {  	_ =	swait.ge [sflag:s5], $0x1900  }
0x16: {  	s10 =	sadd.s32 $0xFFFFFFFF, s10;
	[sflag:s5] =	ssyncset.done $0x0  }
.LBB2_1:
0x17: {  	p0 =	sne.s32 s10, $0x1;
	s10 =	sadd.s32 $0xFFFFFFFF, s10;
	[sflag:s5] =	ssyncadd.s32 $0xFFFFE700  }
0x18: {  	[spmem:s6], [sflag:s4] =	dma.local [hbm:s2], $0x1900  }
0x19: {  	_ =	swait.ge [sflag:s5], $0x1900  }
0x1a: {  	[sflag:s5] =	ssyncset.done $0x0  }
0x1b: {  	[sflag:s5] =	ssyncadd.s32 $0xFFFFE700  }
0x1c: {  	[tilespmem:s8], [sflag:$0x1] =	stream.linear.gather [hbm4b:s7+s3], $0x5200, $0x38;
	[tilespmem:$0x11A00] =	vst v63  }
0x1d: {  	_ =	swait.ge [sflag:s5], $0x5200  }
0x1e: {  	[sflag:s5] =	ssyncset.done $0x0  }
0x1f: {  	[sflag:s5] =	ssyncadd.s32 $0xFFFFAE00  }
.Ltmp1:
0x20: {  	[bflag:$0x0] =	sbarrier.arrive $0xFFFF;
	(pc) =	sbr.rel @p0 .LBB2_1-.Ltmp1, $4  }
0x21: {  	[bflag:$0x0] =	sbarrier.arrive $0xFFFF  }
0x22: {  	[hbm:s9], [sflag:s4] =	dma.local [spmem:s6], $0x1900  }
0x23: {  	_ =	swait.ge [sflag:s5], $0x1900  }
0x24: {  	[sflag:s5] =	ssyncset.done $0x0  }
.LBB2_2:
0x25: {  	[sflag:s5] =	ssyncadd.s32 $0xFFFFE700  }
0x26: {  	_ =	sfence.sel $0x180000  }
0x27: {  	[bflag:$0x0] =	sbarrier.arrive $0xFFFF  }
0x28: {  	p0 =	sne.s32 s1, $0x0;
	_ =	strace $0x90000047  }
0x29: {  	s0 =	sadd.s32 @!p0 $0x100000, s0;
	[bflag:$0x2] =	sbarrier.arrive $0xFFFF  }
0x2a: {  	[sflag:s0] =	ssyncadd.tile.s32 @!p0 $0x1;
	_ =	shalt  }
.Lfunc_end2:
_tile_overlayer_lowered:
.L_overlay_start_2:
0x2b: {  	(tag) =	ssettag $0x2  }
0x2c: {  	s0 =	rddreg [dreg:$0x0];
	s2 =	stileid.u32  }
0x2d: {  	s1 =	rddreg [dreg:$0x1];
	p0 =	sne.s32 s2, $0x0  }
0x2e: {  	s3 =	rddreg [dreg:$0x2];
	[bflag:$0x3] =	sbarrier.arrive $0xFFFF;
	s2 =	simm.s32 @!p0 $0x1C01  }
0x2f: {  	[timem:s3], [sflag:s2] =	dma.local @!p0 [hbm:s0], s1  }
0x30: {  	s0 =	simm.s32 @!p0 $0x1  }
0x31: {  	_ =	swait.ge @!p0 [sflag:s0], s1  }
0x32: {  	s1 =	ssub.s32 @!p0 $0x0, s1;
	[sflag:s0] =	ssyncset.done @!p0 $0x0  }
0x33: {  	[sflag:s0] =	ssyncadd.s32 @!p0 s1  }
0x34: {  	[bflag:$0x3] =	sbarrier.arrive $0xFFFF  }
0x35: {  	_ =	shalt  }

</sc_bundles>
